<compile_context>
chip_gen: v7x
topology: tpu7x:2x2x1
jax: 0.10.2.dev20260603
libtpu: 0.0.44.dev20260713+nightly
codegen_flags: <defaults>
</compile_context>

<pallas_src>
import functools

import jax
import jax.numpy as jnp
from jax import lax
from jax.experimental import pallas as pl
from jax.experimental.pallas import tpu as pltpu
from jax.experimental.pallas import tpu_sc as plsc

NUM_BUCKETS = 32
NUM_HEADS = 16
Q_LEN = 2048
K_LEN = 2048
DIAG = Q_LEN + K_LEN
NSHIFT = 8
LANES = 16


_TAKE_DNUMS = lax.GatherDimensionNumbers(
    offset_dims=(), collapsed_slice_dims=(0,), start_index_map=(0,)
)


def _take(v, idx):
    return lax.gather(
        v,
        idx[:, None],
        _TAKE_DNUMS,
        (1,),
        mode=lax.GatherScatterMode.PROMISE_IN_BOUNDS,
    )


def _sc_body(w_hbm, out_hbm, w_v, dvec, dvec8, stg_a, stg_b, sem_out):
    c = lax.axis_index("c")
    s = lax.axis_index("s")
    h = s
    lane = lax.iota(jnp.int32, LANES)

    pltpu.sync_copy(w_hbm, w_v)
    h_vec = jnp.broadcast_to(h, (LANES,)).astype(jnp.int32)
    lo = jnp.zeros((LANES,), jnp.float32)
    hi = jnp.zeros((LANES,), jnp.float32)
    for b in range(NUM_BUCKETS):
        wb = _take(w_v[pl.ds(b * NUM_HEADS, LANES)], h_vec)
        if b < LANES:
            lo = jnp.where(lane == b, wb, lo)
        else:
            hi = jnp.where(lane == b - LANES, wb, hi)

    @plsc.parallel_loop(0, DIAG // LANES, unroll=4)
    def diag_step(t):
        j = lane + t * LANES
        d = j - (K_LEN - 1)
        n = -d
        isneg = n < 0
        na = jnp.abs(n)
        issmall = na < 8
        nc = jnp.maximum(na, 1)
        sq = (nc * nc).astype(jnp.float32)
        e = (lax.bitcast_convert_type(sq, jnp.int32) >> 23) - 127
        large = jnp.minimum(8 + (e - 6), 15)
        b = jnp.where(issmall, na, large)
        b = jnp.where(isneg, b + LANES, b)
        val = jnp.where(b < LANES, _take(lo, b & 15), _take(hi, b & 15))
        dvec[pl.ds(t * LANES, LANES)] = val

    for r in range(NSHIFT):
        if r == 0:

            @plsc.parallel_loop(0, DIAG // LANES, unroll=4)
            def shift0_step(t):
                dvec8[pl.ds(t * LANES, LANES)] = dvec[pl.ds(t * LANES, LANES)]

        else:
            idx = (lane + r) & 15

            @plsc.parallel_loop(0, DIAG // LANES, unroll=4)
            def shift_step(t, r=r, idx=idx):
                v = dvec[pl.ds(t * LANES, LANES)]
                v2 = dvec[pl.ds(t * LANES + LANES, LANES)]
                out = jnp.where(lane < LANES - r, _take(v, idx), _take(v2, idx))
                dvec8[pl.ds(r * DIAG + t * LANES, LANES)] = out

    def _build(stg, b8):
        @plsc.parallel_loop(0, K_LEN // LANES, unroll=8)
        def cp(v):
            col = pl.multiple_of(v * LANES, LANES)
            for r in range(8):
                stg[r, pl.ds(col, LANES)] = dvec8[
                    pl.ds(b8 + (7 - r) * DIAG + col, LANES)
                ]

    def _ship(stg, g):
        row8 = pl.multiple_of((c * 128 + g) * 8, 8)
        pltpu.async_copy(stg, out_hbm.at[0, h, pl.ds(row8, 8), :], sem_out)

    def _wait_ship():
        pltpu.make_async_copy(
            stg_a, out_hbm.at[0, 0, pl.ds(0, 8), :], sem_out
        ).wait()

    def grp_step(g, carry):
        b8 = pl.multiple_of((255 - c * 128 - g) * 8, 8)

        @pl.when(g >= 2)
        def _wait_one():
            _wait_ship()

        @pl.when(lax.rem(g, 2) == 0)
        def _even():
            _build(stg_a, b8)
            _ship(stg_a, g)

        @pl.when(lax.rem(g, 2) == 1)
        def _odd():
            _build(stg_b, b8)
            _ship(stg_b, g)

        return carry

    lax.fori_loop(0, Q_LEN // 2 // 8, grp_step, 0)

    def drain_step(i, carry):
        _wait_ship()
        return carry

    lax.fori_loop(0, 2, drain_step, 0)


def kernel(q_len, k_len, relative_attention_bias):
    mesh = plsc.VectorSubcoreMesh(core_axis_name="c", subcore_axis_name="s")
    run = functools.partial(
        pl.kernel,
        mesh=mesh,
        out_type=jax.ShapeDtypeStruct((1, NUM_HEADS, Q_LEN, K_LEN), jnp.float32),
        scratch_types=[
            pltpu.VMEM((NUM_BUCKETS * NUM_HEADS,), jnp.float32),
            pltpu.VMEM((DIAG + LANES,), jnp.float32),
            pltpu.VMEM((NSHIFT * DIAG,), jnp.float32),
            pltpu.VMEM((8, K_LEN), jnp.float32),
            pltpu.VMEM((8, K_LEN), jnp.float32),
            pltpu.SemaphoreType.DMA,
        ],
    )(_sc_body)
    return run(relative_attention_bias.reshape(NUM_BUCKETS * NUM_HEADS))

# --- scband reference (transcript-rebuilt; emitter-appended) ---
"""Pipeline reference for scband-relative-position-bias-90993177133822 (READ-ONLY COPY).

The authoritative reference and input builder live on the scoring server;
editing this copy changes nothing except your own understanding.
"""

import math
import jax, jax.numpy as jnp
import numpy as np

NUM_BUCKETS = 32
MAX_DISTANCE = 128
NUM_HEADS = 16
Q_LEN = 2048
K_LEN = 2048


def _relative_position_bucket(relative_position, num_buckets, max_distance):
    # relative_position: [Q, K] int32, values are (k_idx - q_idx)
    n = -relative_position
    num_buckets = num_buckets // 2
    is_neg = n < 0
    n = jnp.abs(n)
    max_exact = num_buckets // 2
    is_small = n < max_exact
    n_clipped = jnp.maximum(n, 1)
    val_if_large = max_exact + (
        jnp.log(n_clipped.astype(jnp.float32) / max_exact)
        / math.log(max_distance / max_exact)
        * (num_buckets - max_exact)
    ).astype(jnp.int32)
    val_if_large = jnp.minimum(val_if_large, num_buckets - 1)
    bucket = jnp.where(is_small, n, val_if_large)
    bucket = jnp.where(is_neg, bucket + num_buckets, bucket)
    return bucket


def setup_inputs(seed: int = 0) -> dict:
    key = jax.random.key(seed)
    # learned parameter: nn.Embedding(num_buckets, num_heads) weight
    relative_attention_bias = jax.random.normal(key, (NUM_BUCKETS, NUM_HEADS), dtype=jnp.float32) * 0.02
    return {"q_len": 2048, "k_len": 2048, "relative_attention_bias": relative_attention_bias}


def reference(q_len, k_len, relative_attention_bias):
    q_off = (jnp.asarray(q_len) - Q_LEN).astype(jnp.int32)
    k_off = (jnp.asarray(k_len) - K_LEN).astype(jnp.int32)
    q_pos = (jnp.arange(Q_LEN, dtype=jnp.int32) + q_off)[:, None]
    k_pos = (jnp.arange(K_LEN, dtype=jnp.int32) + k_off)[None, :]
    rel = k_pos - q_pos  # [Q, K]
    buckets = _relative_position_bucket(rel, NUM_BUCKETS, MAX_DISTANCE)  # [Q, K]
    bias = jnp.take(relative_attention_bias, buckets, axis=0)  # [Q, K, H] embedding gather
    bias = jnp.transpose(bias, (2, 0, 1))[None, ...]  # [1, H, Q, K]
    return bias

if __name__ == "__main__":
    import jax
    _d = setup_inputs()
    print(jax.jit(kernel)(*tuple(_d.values())))

</pallas_src>

<mosaic_0001>
#map = affine_map<(d0, d1) -> (0)>
#map1 = affine_map<(d0, d1) -> (0, 0, 0, 0)>
module attributes {stable_mosaic.version = 14 : i64} {
  func.func @_sc_body(%arg0: i32, %arg1: i32, %arg2: memref<512xf32, #tpu.memory_space<hbm>>, %arg3: memref<1x16x2048x2048xf32, #tpu.memory_space<hbm>>, %arg4: memref<512xf32, #tpu.memory_space<vmem>>, %arg5: memref<4112xf32, #tpu.memory_space<vmem>>, %arg6: memref<32768xf32, #tpu.memory_space<vmem>>, %arg7: memref<8x2048xf32, #tpu.memory_space<vmem>>, %arg8: memref<8x2048xf32, #tpu.memory_space<vmem>>, %arg9: memref<!tpu.dma_semaphore, #tpu.memory_space<semaphore_mem>>) attributes {dimension_semantics = [#tpu.dimension_semantics<core_parallel>, #tpu.dimension_semantics<subcore_parallel>], iteration_bounds = array<i64: 2, 16>, scalar_prefetch = 0 : i64, scratch_operands = 6 : i64, tpu.core_type = #tpu.core_type<sc_vector_subcore>, window_params = [{transform_indices = #map}, {transform_indices = #map1}]} {
    %iota3A = tpu.iota {dimensions = array<i32: 0>} : vector<16xi32>
    "tpu.region"() ({
      %run_scoped3A = tpu.sem_alloc : memref<!tpu.dma_semaphore, #tpu.memory_space<semaphore_mem>>
      tpu.enqueue_dma source(%arg2 : memref<512xf32, #tpu.memory_space<hbm>>) target(%arg4 : memref<512xf32, #tpu.memory_space<vmem>>) target_semaphore(%run_scoped3A : memref<!tpu.dma_semaphore, #tpu.memory_space<semaphore_mem>>)
      tpu.wait_dma2 semaphore(%run_scoped3A : memref<!tpu.dma_semaphore, #tpu.memory_space<semaphore_mem>>) src(%arg2 : memref<512xf32, #tpu.memory_space<hbm>>) dst(%arg4 : memref<512xf32, #tpu.memory_space<vmem>>)
      tpu.yield
    }) : () -> ()
    %broadcast_in_dim3A = vector.broadcast %arg1 : i32 to vector<16xi32>
    %broadcast_in_dim3A_0 = arith.constant 0.000000e+00 : f32
    %broadcast_in_dim3A_1 = vector.broadcast %broadcast_in_dim3A_0 : f32 to vector<16xf32>
    %broadcast_in_dim3A_2 = arith.constant 0.000000e+00 : f32
    %broadcast_in_dim3A_3 = vector.broadcast %broadcast_in_dim3A_2 : f32 to vector<16xf32>
    %get3A = arith.constant 0 : index
    %get3A_4 = tpu.vector_load %arg4[%get3A] {strides = array<i32>} : memref<512xf32, #tpu.memory_space<vmem>>, vector<16xf32>,
    %get3A_5 = vector.shape_cast %get3A_4 : vector<16xf32> to vector<16xf32>
    %broadcast_in_dim3A_6 = vector.shape_cast %broadcast_in_dim3A : vector<16xi32> to vector<16x1xi32>
    %gather3A = vector.shape_cast %broadcast_in_dim3A_6 : vector<16x1xi32> to vector<16xi32>
    %gather3A_7 = tpu.dynamic_gather %get3A_5[%gather3A] in [0] : vector<16xf32>, vector<16xi32> -> vector<16xf32>
    %eq3A = arith.constant 0 : i32
    %eq3A_8 = vector.broadcast %eq3A : i32 to vector<16xi32>
    %eq3A_9 = arith.cmpi eq, %iota3A, %eq3A_8 : vector<16xi32>
    %select_n3A = arith.select %eq3A_9, %gather3A_7, %broadcast_in_dim3A_1 : vector<16xi1>, vector<16xf32>
    %get3A_10 = arith.constant 16 : index
    %get3A_11 = tpu.vector_load %arg4[%get3A_10] {strides = array<i32>} : memref<512xf32, #tpu.memory_space<vmem>>, vector<16xf32>,
    %get3A_12 = vector.shape_cast %get3A_11 : vector<16xf32> to vector<16xf32>
    %broadcast_in_dim3A_13 = vector.shape_cast %broadcast_in_dim3A : vector<16xi32> to vector<16x1xi32>
    %gather3A_14 = vector.shape_cast %broadcast_in_dim3A_13 : vector<16x1xi32> to vector<16xi32>
    %gather3A_15 = tpu.dynamic_gather %get3A_12[%gather3A_14] in [0] : vector<16xf32>, vector<16xi32> -> vector<16xf32>
    %eq3A_16 = arith.constant 1 : i32
    %eq3A_17 = vector.broadcast %eq3A_16 : i32 to vector<16xi32>
    %eq3A_18 = arith.cmpi eq, %iota3A, %eq3A_17 : vector<16xi32>
    %select_n3A_19 = arith.select %eq3A_18, %gather3A_15, %select_n3A : vector<16xi1>, vector<16xf32>
    %get3A_20 = arith.constant 32 : index
    %get3A_21 = tpu.vector_load %arg4[%get3A_20] {strides = array<i32>} : memref<512xf32, #tpu.memory_space<vmem>>, vector<16xf32>,
    %get3A_22 = vector.shape_cast %get3A_21 : vector<16xf32> to vector<16xf32>
    %broadcast_in_dim3A_23 = vector.shape_cast %broadcast_in_dim3A : vector<16xi32> to vector<16x1xi32>
    %gather3A_24 = vector.shape_cast %broadcast_in_dim3A_23 : vector<16x1xi32> to vector<16xi32>
    %gather3A_25 = tpu.dynamic_gather %get3A_22[%gather3A_24] in [0] : vector<16xf32>, vector<16xi32> -> vector<16xf32>
    %eq3A_26 = arith.constant 2 : i32
    %eq3A_27 = vector.broadcast %eq3A_26 : i32 to vector<16xi32>
    %eq3A_28 = arith.cmpi eq, %iota3A, %eq3A_27 : vector<16xi32>
    %select_n3A_29 = arith.select %eq3A_28, %gather3A_25, %select_n3A_19 : vector<16xi1>, vector<16xf32>
    %get3A_30 = arith.constant 48 : index
    %get3A_31 = tpu.vector_load %arg4[%get3A_30] {strides = array<i32>} : memref<512xf32, #tpu.memory_space<vmem>>, vector<16xf32>,
    %get3A_32 = vector.shape_cast %get3A_31 : vector<16xf32> to vector<16xf32>
    %broadcast_in_dim3A_33 = vector.shape_cast %broadcast_in_dim3A : vector<16xi32> to vector<16x1xi32>
    %gather3A_34 = vector.shape_cast %broadcast_in_dim3A_33 : vector<16x1xi32> to vector<16xi32>
    %gather3A_35 = tpu.dynamic_gather %get3A_32[%gather3A_34] in [0] : vector<16xf32>, vector<16xi32> -> vector<16xf32>
    %eq3A_36 = arith.constant 3 : i32
    %eq3A_37 = vector.broadcast %eq3A_36 : i32 to vector<16xi32>
    %eq3A_38 = arith.cmpi eq, %iota3A, %eq3A_37 : vector<16xi32>
    %select_n3A_39 = arith.select %eq3A_38, %gather3A_35, %select_n3A_29 : vector<16xi1>, vector<16xf32>
    %get3A_40 = arith.constant 64 : index
    %get3A_41 = tpu.vector_load %arg4[%get3A_40] {strides = array<i32>} : memref<512xf32, #tpu.memory_space<vmem>>, vector<16xf32>,
    %get3A_42 = vector.shape_cast %get3A_41 : vector<16xf32> to vector<16xf32>
    %broadcast_in_dim3A_43 = vector.shape_cast %broadcast_in_dim3A : vector<16xi32> to vector<16x1xi32>
    %gather3A_44 = vector.shape_cast %broadcast_in_dim3A_43 : vector<16x1xi32> to vector<16xi32>
    %gather3A_45 = tpu.dynamic_gather %get3A_42[%gather3A_44] in [0] : vector<16xf32>, vector<16xi32> -> vector<16xf32>
    %eq3A_46 = arith.constant 4 : i32
    %eq3A_47 = vector.broadcast %eq3A_46 : i32 to vector<16xi32>
    %eq3A_48 = arith.cmpi eq, %iota3A, %eq3A_47 : vector<16xi32>
    %select_n3A_49 = arith.select %eq3A_48, %gather3A_45, %select_n3A_39 : vector<16xi1>, vector<16xf32>
    %get3A_50 = arith.constant 80 : index
    %get3A_51 = tpu.vector_load %arg4[%get3A_50] {strides = array<i32>} : memref<512xf32, #tpu.memory_space<vmem>>, vector<16xf32>,
    %get3A_52 = vector.shape_cast %get3A_51 : vector<16xf32> to vector<16xf32>
    %broadcast_in_dim3A_53 = vector.shape_cast %broadcast_in_dim3A : vector<16xi32> to vector<16x1xi32>
    %gather3A_54 = vector.shape_cast %broadcast_in_dim3A_53 : vector<16x1xi32> to vector<16xi32>
    %gather3A_55 = tpu.dynamic_gather %get3A_52[%gather3A_54] in [0] : vector<16xf32>, vector<16xi32> -> vector<16xf32>
    %eq3A_56 = arith.constant 5 : i32
    %eq3A_57 = vector.broadcast %eq3A_56 : i32 to vector<16xi32>
    %eq3A_58 = arith.cmpi eq, %iota3A, %eq3A_57 : vector<16xi32>
    %select_n3A_59 = arith.select %eq3A_58, %gather3A_55, %select_n3A_49 : vector<16xi1>, vector<16xf32>
    %get3A_60 = arith.constant 96 : index
    %get3A_61 = tpu.vector_load %arg4[%get3A_60] {strides = array<i32>} : memref<512xf32, #tpu.memory_space<vmem>>, vector<16xf32>,
    %get3A_62 = vector.shape_cast %get3A_61 : vector<16xf32> to vector<16xf32>
    %broadcast_in_dim3A_63 = vector.shape_cast %broadcast_in_dim3A : vector<16xi32> to vector<16x1xi32>
    %gather3A_64 = vector.shape_cast %broadcast_in_dim3A_63 : vector<16x1xi32> to vector<16xi32>
    %gather3A_65 = tpu.dynamic_gather %get3A_62[%gather3A_64] in [0] : vector<16xf32>, vector<16xi32> -> vector<16xf32>
    %eq3A_66 = arith.constant 6 : i32
    %eq3A_67 = vector.broadcast %eq3A_66 : i32 to vector<16xi32>
    %eq3A_68 = arith.cmpi eq, %iota3A, %eq3A_67 : vector<16xi32>
    %select_n3A_69 = arith.select %eq3A_68, %gather3A_65, %select_n3A_59 : vector<16xi1>, vector<16xf32>
    %get3A_70 = arith.constant 112 : index
    %get3A_71 = tpu.vector_load %arg4[%get3A_70] {strides = array<i32>} : memref<512xf32, #tpu.memory_space<vmem>>, vector<16xf32>,
    %get3A_72 = vector.shape_cast %get3A_71 : vector<16xf32> to vector<16xf32>
    %broadcast_in_dim3A_73 = vector.shape_cast %broadcast_in_dim3A : vector<16xi32> to vector<16x1xi32>
    %gather3A_74 = vector.shape_cast %broadcast_in_dim3A_73 : vector<16x1xi32> to vector<16xi32>
    %gather3A_75 = tpu.dynamic_gather %get3A_72[%gather3A_74] in [0] : vector<16xf32>, vector<16xi32> -> vector<16xf32>
    %eq3A_76 = arith.constant 7 : i32
    %eq3A_77 = vector.broadcast %eq3A_76 : i32 to vector<16xi32>
    %eq3A_78 = arith.cmpi eq, %iota3A, %eq3A_77 : vector<16xi32>
    %select_n3A_79 = arith.select %eq3A_78, %gather3A_75, %select_n3A_69 : vector<16xi1>, vector<16xf32>
    %get3A_80 = arith.constant 128 : index
    %get3A_81 = tpu.vector_load %arg4[%get3A_80] {strides = array<i32>} : memref<512xf32, #tpu.memory_space<vmem>>, vector<16xf32>,
    %get3A_82 = vector.shape_cast %get3A_81 : vector<16xf32> to vector<16xf32>
    %broadcast_in_dim3A_83 = vector.shape_cast %broadcast_in_dim3A : vector<16xi32> to vector<16x1xi32>
    %gather3A_84 = vector.shape_cast %broadcast_in_dim3A_83 : vector<16x1xi32> to vector<16xi32>
    %gather3A_85 = tpu.dynamic_gather %get3A_82[%gather3A_84] in [0] : vector<16xf32>, vector<16xi32> -> vector<16xf32>
    %eq3A_86 = arith.constant 8 : i32
    %eq3A_87 = vector.broadcast %eq3A_86 : i32 to vector<16xi32>
    %eq3A_88 = arith.cmpi eq, %iota3A, %eq3A_87 : vector<16xi32>
    %select_n3A_89 = arith.select %eq3A_88, %gather3A_85, %select_n3A_79 : vector<16xi1>, vector<16xf32>
    %get3A_90 = arith.constant 144 : index
    %get3A_91 = tpu.vector_load %arg4[%get3A_90] {strides = array<i32>} : memref<512xf32, #tpu.memory_space<vmem>>, vector<16xf32>,
    %get3A_92 = vector.shape_cast %get3A_91 : vector<16xf32> to vector<16xf32>
    %broadcast_in_dim3A_93 = vector.shape_cast %broadcast_in_dim3A : vector<16xi32> to vector<16x1xi32>
    %gather3A_94 = vector.shape_cast %broadcast_in_dim3A_93 : vector<16x1xi32> to vector<16xi32>
    %gather3A_95 = tpu.dynamic_gather %get3A_92[%gather3A_94] in [0] : vector<16xf32>, vector<16xi32> -> vector<16xf32>
    %eq3A_96 = arith.constant 9 : i32
    %eq3A_97 = vector.broadcast %eq3A_96 : i32 to vector<16xi32>
    %eq3A_98 = arith.cmpi eq, %iota3A, %eq3A_97 : vector<16xi32>
    %select_n3A_99 = arith.select %eq3A_98, %gather3A_95, %select_n3A_89 : vector<16xi1>, vector<16xf32>
    %get3A_100 = arith.constant 160 : index
    %get3A_101 = tpu.vector_load %arg4[%get3A_100] {strides = array<i32>} : memref<512xf32, #tpu.memory_space<vmem>>, vector<16xf32>,
    %get3A_102 = vector.shape_cast %get3A_101 : vector<16xf32> to vector<16xf32>
    %broadcast_in_dim3A_103 = vector.shape_cast %broadcast_in_dim3A : vector<16xi32> to vector<16x1xi32>
    %gather3A_104 = vector.shape_cast %broadcast_in_dim3A_103 : vector<16x1xi32> to vector<16xi32>
    %gather3A_105 = tpu.dynamic_gather %get3A_102[%gather3A_104] in [0] : vector<16xf32>, vector<16xi32> -> vector<16xf32>
    %eq3A_106 = arith.constant 10 : i32
    %eq3A_107 = vector.broadcast %eq3A_106 : i32 to vector<16xi32>
    %eq3A_108 = arith.cmpi eq, %iota3A, %eq3A_107 : vector<16xi32>
    %select_n3A_109 = arith.select %eq3A_108, %gather3A_105, %select_n3A_99 : vector<16xi1>, vector<16xf32>
    %get3A_110 = arith.constant 176 : index
    %get3A_111 = tpu.vector_load %arg4[%get3A_110] {strides = array<i32>} : memref<512xf32, #tpu.memory_space<vmem>>, vector<16xf32>,
    %get3A_112 = vector.shape_cast %get3A_111 : vector<16xf32> to vector<16xf32>
    %broadcast_in_dim3A_113 = vector.shape_cast %broadcast_in_dim3A : vector<16xi32> to vector<16x1xi32>
    %gather3A_114 = vector.shape_cast %broadcast_in_dim3A_113 : vector<16x1xi32> to vector<16xi32>
    %gather3A_115 = tpu.dynamic_gather %get3A_112[%gather3A_114] in [0] : vector<16xf32>, vector<16xi32> -> vector<16xf32>
    %eq3A_116 = arith.constant 11 : i32
    %eq3A_117 = vector.broadcast %eq3A_116 : i32 to vector<16xi32>
    %eq3A_118 = arith.cmpi eq, %iota3A, %eq3A_117 : vector<16xi32>
    %select_n3A_119 = arith.select %eq3A_118, %gather3A_115, %select_n3A_109 : vector<16xi1>, vector<16xf32>
    %get3A_120 = arith.constant 192 : index
    %get3A_121 = tpu.vector_load %arg4[%get3A_120] {strides = array<i32>} : memref<512xf32, #tpu.memory_space<vmem>>, vector<16xf32>,
    %get3A_122 = vector.shape_cast %get3A_121 : vector<16xf32> to vector<16xf32>
    %broadcast_in_dim3A_123 = vector.shape_cast %broadcast_in_dim3A : vector<16xi32> to vector<16x1xi32>
    %gather3A_124 = vector.shape_cast %broadcast_in_dim3A_123 : vector<16x1xi32> to vector<16xi32>
    %gather3A_125 = tpu.dynamic_gather %get3A_122[%gather3A_124] in [0] : vector<16xf32>, vector<16xi32> -> vector<16xf32>
    %eq3A_126 = arith.constant 12 : i32
    %eq3A_127 = vector.broadcast %eq3A_126 : i32 to vector<16xi32>
    %eq3A_128 = arith.cmpi eq, %iota3A, %eq3A_127 : vector<16xi32>
    %select_n3A_129 = arith.select %eq3A_128, %gather3A_125, %select_n3A_119 : vector<16xi1>, vector<16xf32>
    %get3A_130 = arith.constant 208 : index
    %get3A_131 = tpu.vector_load %arg4[%get3A_130] {strides = array<i32>} : memref<512xf32, #tpu.memory_space<vmem>>, vector<16xf32>,
    %get3A_132 = vector.shape_cast %get3A_131 : vector<16xf32> to vector<16xf32>
    %broadcast_in_dim3A_133 = vector.shape_cast %broadcast_in_dim3A : vector<16xi32> to vector<16x1xi32>
    %gather3A_134 = vector.shape_cast %broadcast_in_dim3A_133 : vector<16x1xi32> to vector<16xi32>
    %gather3A_135 = tpu.dynamic_gather %get3A_132[%gather3A_134] in [0] : vector<16xf32>, vector<16xi32> -> vector<16xf32>
    %eq3A_136 = arith.constant 13 : i32
    %eq3A_137 = vector.broadcast %eq3A_136 : i32 to vector<16xi32>
    %eq3A_138 = arith.cmpi eq, %iota3A, %eq3A_137 : vector<16xi32>
    %select_n3A_139 = arith.select %eq3A_138, %gather3A_135, %select_n3A_129 : vector<16xi1>, vector<16xf32>
    %get3A_140 = arith.constant 224 : index
    %get3A_141 = tpu.vector_load %arg4[%get3A_140] {strides = array<i32>} : memref<512xf32, #tpu.memory_space<vmem>>, vector<16xf32>,
    %get3A_142 = vector.shape_cast %get3A_141 : vector<16xf32> to vector<16xf32>
    %broadcast_in_dim3A_143 = vector.shape_cast %broadcast_in_dim3A : vector<16xi32> to vector<16x1xi32>
    %gather3A_144 = vector.shape_cast %broadcast_in_dim3A_143 : vector<16x1xi32> to vector<16xi32>
    %gather3A_145 = tpu.dynamic_gather %get3A_142[%gather3A_144] in [0] : vector<16xf32>, vector<16xi32> -> vector<16xf32>
    %eq3A_146 = arith.constant 14 : i32
    %eq3A_147 = vector.broadcast %eq3A_146 : i32 to vector<16xi32>
    %eq3A_148 = arith.cmpi eq, %iota3A, %eq3A_147 : vector<16xi32>
    %select_n3A_149 = arith.select %eq3A_148, %gather3A_145, %select_n3A_139 : vector<16xi1>, vector<16xf32>
    %get3A_150 = arith.constant 240 : index
    %get3A_151 = tpu.vector_load %arg4[%get3A_150] {strides = array<i32>} : memref<512xf32, #tpu.memory_space<vmem>>, vector<16xf32>,
    %get3A_152 = vector.shape_cast %get3A_151 : vector<16xf32> to vector<16xf32>
    %broadcast_in_dim3A_153 = vector.shape_cast %broadcast_in_dim3A : vector<16xi32> to vector<16x1xi32>
    %gather3A_154 = vector.shape_cast %broadcast_in_dim3A_153 : vector<16x1xi32> to vector<16xi32>
    %gather3A_155 = tpu.dynamic_gather %get3A_152[%gather3A_154] in [0] : vector<16xf32>, vector<16xi32> -> vector<16xf32>
    %eq3A_156 = arith.constant 15 : i32
    %eq3A_157 = vector.broadcast %eq3A_156 : i32 to vector<16xi32>
    %eq3A_158 = arith.cmpi eq, %iota3A, %eq3A_157 : vector<16xi32>
    %select_n3A_159 = arith.select %eq3A_158, %gather3A_155, %select_n3A_149 : vector<16xi1>, vector<16xf32>
    %get3A_160 = arith.constant 256 : index
    %get3A_161 = tpu.vector_load %arg4[%get3A_160] {strides = array<i32>} : memref<512xf32, #tpu.memory_space<vmem>>, vector<16xf32>,
    %get3A_162 = vector.shape_cast %get3A_161 : vector<16xf32> to vector<16xf32>
    %broadcast_in_dim3A_163 = vector.shape_cast %broadcast_in_dim3A : vector<16xi32> to vector<16x1xi32>
    %gather3A_164 = vector.shape_cast %broadcast_in_dim3A_163 : vector<16x1xi32> to vector<16xi32>
    %gather3A_165 = tpu.dynamic_gather %get3A_162[%gather3A_164] in [0] : vector<16xf32>, vector<16xi32> -> vector<16xf32>
    %eq3A_166 = arith.constant 0 : i32
    %eq3A_167 = vector.broadcast %eq3A_166 : i32 to vector<16xi32>
    %eq3A_168 = arith.cmpi eq, %iota3A, %eq3A_167 : vector<16xi32>
    %select_n3A_169 = arith.select %eq3A_168, %gather3A_165, %broadcast_in_dim3A_3 : vector<16xi1>, vector<16xf32>
    %get3A_170 = arith.constant 272 : index
    %get3A_171 = tpu.vector_load %arg4[%get3A_170] {strides = array<i32>} : memref<512xf32, #tpu.memory_space<vmem>>, vector<16xf32>,
    %get3A_172 = vector.shape_cast %get3A_171 : vector<16xf32> to vector<16xf32>
    %broadcast_in_dim3A_173 = vector.shape_cast %broadcast_in_dim3A : vector<16xi32> to vector<16x1xi32>
    %gather3A_174 = vector.shape_cast %broadcast_in_dim3A_173 : vector<16x1xi32> to vector<16xi32>
    %gather3A_175 = tpu.dynamic_gather %get3A_172[%gather3A_174] in [0] : vector<16xf32>, vector<16xi32> -> vector<16xf32>
    %eq3A_176 = arith.constant 1 : i32
    %eq3A_177 = vector.broadcast %eq3A_176 : i32 to vector<16xi32>
    %eq3A_178 = arith.cmpi eq, %iota3A, %eq3A_177 : vector<16xi32>
    %select_n3A_179 = arith.select %eq3A_178, %gather3A_175, %select_n3A_169 : vector<16xi1>, vector<16xf32>
    %get3A_180 = arith.constant 288 : index
    %get3A_181 = tpu.vector_load %arg4[%get3A_180] {strides = array<i32>} : memref<512xf32, #tpu.memory_space<vmem>>, vector<16xf32>,
    %get3A_182 = vector.shape_cast %get3A_181 : vector<16xf32> to vector<16xf32>
    %broadcast_in_dim3A_183 = vector.shape_cast %broadcast_in_dim3A : vector<16xi32> to vector<16x1xi32>
    %gather3A_184 = vector.shape_cast %broadcast_in_dim3A_183 : vector<16x1xi32> to vector<16xi32>
    %gather3A_185 = tpu.dynamic_gather %get3A_182[%gather3A_184] in [0] : vector<16xf32>, vector<16xi32> -> vector<16xf32>
    %eq3A_186 = arith.constant 2 : i32
    %eq3A_187 = vector.broadcast %eq3A_186 : i32 to vector<16xi32>
    %eq3A_188 = arith.cmpi eq, %iota3A, %eq3A_187 : vector<16xi32>
    %select_n3A_189 = arith.select %eq3A_188, %gather3A_185, %select_n3A_179 : vector<16xi1>, vector<16xf32>
    %get3A_190 = arith.constant 304 : index
    %get3A_191 = tpu.vector_load %arg4[%get3A_190] {strides = array<i32>} : memref<512xf32, #tpu.memory_space<vmem>>, vector<16xf32>,
    %get3A_192 = vector.shape_cast %get3A_191 : vector<16xf32> to vector<16xf32>
    %broadcast_in_dim3A_193 = vector.shape_cast %broadcast_in_dim3A : vector<16xi32> to vector<16x1xi32>
    %gather3A_194 = vector.shape_cast %broadcast_in_dim3A_193 : vector<16x1xi32> to vector<16xi32>
    %gather3A_195 = tpu.dynamic_gather %get3A_192[%gather3A_194] in [0] : vector<16xf32>, vector<16xi32> -> vector<16xf32>
    %eq3A_196 = arith.constant 3 : i32
    %eq3A_197 = vector.broadcast %eq3A_196 : i32 to vector<16xi32>
    %eq3A_198 = arith.cmpi eq, %iota3A, %eq3A_197 : vector<16xi32>
    %select_n3A_199 = arith.select %eq3A_198, %gather3A_195, %select_n3A_189 : vector<16xi1>, vector<16xf32>
    %get3A_200 = arith.constant 320 : index
    %get3A_201 = tpu.vector_load %arg4[%get3A_200] {strides = array<i32>} : memref<512xf32, #tpu.memory_space<vmem>>, vector<16xf32>,
    %get3A_202 = vector.shape_cast %get3A_201 : vector<16xf32> to vector<16xf32>
    %broadcast_in_dim3A_203 = vector.shape_cast %broadcast_in_dim3A : vector<16xi32> to vector<16x1xi32>
    %gather3A_204 = vector.shape_cast %broadcast_in_dim3A_203 : vector<16x1xi32> to vector<16xi32>
    %gather3A_205 = tpu.dynamic_gather %get3A_202[%gather3A_204] in [0] : vector<16xf32>, vector<16xi32> -> vector<16xf32>
    %eq3A_206 = arith.constant 4 : i32
    %eq3A_207 = vector.broadcast %eq3A_206 : i32 to vector<16xi32>
    %eq3A_208 = arith.cmpi eq, %iota3A, %eq3A_207 : vector<16xi32>
    %select_n3A_209 = arith.select %eq3A_208, %gather3A_205, %select_n3A_199 : vector<16xi1>, vector<16xf32>
    %get3A_210 = arith.constant 336 : index
    %get3A_211 = tpu.vector_load %arg4[%get3A_210] {strides = array<i32>} : memref<512xf32, #tpu.memory_space<vmem>>, vector<16xf32>,
    %get3A_212 = vector.shape_cast %get3A_211 : vector<16xf32> to vector<16xf32>
    %broadcast_in_dim3A_213 = vector.shape_cast %broadcast_in_dim3A : vector<16xi32> to vector<16x1xi32>
    %gather3A_214 = vector.shape_cast %broadcast_in_dim3A_213 : vector<16x1xi32> to vector<16xi32>
    %gather3A_215 = tpu.dynamic_gather %get3A_212[%gather3A_214] in [0] : vector<16xf32>, vector<16xi32> -> vector<16xf32>
    %eq3A_216 = arith.constant 5 : i32
    %eq3A_217 = vector.broadcast %eq3A_216 : i32 to vector<16xi32>
    %eq3A_218 = arith.cmpi eq, %iota3A, %eq3A_217 : vector<16xi32>
    %select_n3A_219 = arith.select %eq3A_218, %gather3A_215, %select_n3A_209 : vector<16xi1>, vector<16xf32>
    %get3A_220 = arith.constant 352 : index
    %get3A_221 = tpu.vector_load %arg4[%get3A_220] {strides = array<i32>} : memref<512xf32, #tpu.memory_space<vmem>>, vector<16xf32>,
    %get3A_222 = vector.shape_cast %get3A_221 : vector<16xf32> to vector<16xf32>
    %broadcast_in_dim3A_223 = vector.shape_cast %broadcast_in_dim3A : vector<16xi32> to vector<16x1xi32>
    %gather3A_224 = vector.shape_cast %broadcast_in_dim3A_223 : vector<16x1xi32> to vector<16xi32>
    %gather3A_225 = tpu.dynamic_gather %get3A_222[%gather3A_224] in [0] : vector<16xf32>, vector<16xi32> -> vector<16xf32>
    %eq3A_226 = arith.constant 6 : i32
    %eq3A_227 = vector.broadcast %eq3A_226 : i32 to vector<16xi32>
    %eq3A_228 = arith.cmpi eq, %iota3A, %eq3A_227 : vector<16xi32>
    %select_n3A_229 = arith.select %eq3A_228, %gather3A_225, %select_n3A_219 : vector<16xi1>, vector<16xf32>
    %get3A_230 = arith.constant 368 : index
    %get3A_231 = tpu.vector_load %arg4[%get3A_230] {strides = array<i32>} : memref<512xf32, #tpu.memory_space<vmem>>, vector<16xf32>,
    %get3A_232 = vector.shape_cast %get3A_231 : vector<16xf32> to vector<16xf32>
    %broadcast_in_dim3A_233 = vector.shape_cast %broadcast_in_dim3A : vector<16xi32> to vector<16x1xi32>
    %gather3A_234 = vector.shape_cast %broadcast_in_dim3A_233 : vector<16x1xi32> to vector<16xi32>
    %gather3A_235 = tpu.dynamic_gather %get3A_232[%gather3A_234] in [0] : vector<16xf32>, vector<16xi32> -> vector<16xf32>
    %eq3A_236 = arith.constant 7 : i32
    %eq3A_237 = vector.broadcast %eq3A_236 : i32 to vector<16xi32>
    %eq3A_238 = arith.cmpi eq, %iota3A, %eq3A_237 : vector<16xi32>
    %select_n3A_239 = arith.select %eq3A_238, %gather3A_235, %select_n3A_229 : vector<16xi1>, vector<16xf32>
    %get3A_240 = arith.constant 384 : index
    %get3A_241 = tpu.vector_load %arg4[%get3A_240] {strides = array<i32>} : memref<512xf32, #tpu.memory_space<vmem>>, vector<16xf32>,
    %get3A_242 = vector.shape_cast %get3A_241 : vector<16xf32> to vector<16xf32>
    %broadcast_in_dim3A_243 = vector.shape_cast %broadcast_in_dim3A : vector<16xi32> to vector<16x1xi32>
    %gather3A_244 = vector.shape_cast %broadcast_in_dim3A_243 : vector<16x1xi32> to vector<16xi32>
    %gather3A_245 = tpu.dynamic_gather %get3A_242[%gather3A_244] in [0] : vector<16xf32>, vector<16xi32> -> vector<16xf32>
    %eq3A_246 = arith.constant 8 : i32
    %eq3A_247 = vector.broadcast %eq3A_246 : i32 to vector<16xi32>
    %eq3A_248 = arith.cmpi eq, %iota3A, %eq3A_247 : vector<16xi32>
    %select_n3A_249 = arith.select %eq3A_248, %gather3A_245, %select_n3A_239 : vector<16xi1>, vector<16xf32>
    %get3A_250 = arith.constant 400 : index
    %get3A_251 = tpu.vector_load %arg4[%get3A_250] {strides = array<i32>} : memref<512xf32, #tpu.memory_space<vmem>>, vector<16xf32>,
    %get3A_252 = vector.shape_cast %get3A_251 : vector<16xf32> to vector<16xf32>
    %broadcast_in_dim3A_253 = vector.shape_cast %broadcast_in_dim3A : vector<16xi32> to vector<16x1xi32>
    %gather3A_254 = vector.shape_cast %broadcast_in_dim3A_253 : vector<16x1xi32> to vector<16xi32>
    %gather3A_255 = tpu.dynamic_gather %get3A_252[%gather3A_254] in [0] : vector<16xf32>, vector<16xi32> -> vector<16xf32>
    %eq3A_256 = arith.constant 9 : i32
    %eq3A_257 = vector.broadcast %eq3A_256 : i32 to vector<16xi32>
    %eq3A_258 = arith.cmpi eq, %iota3A, %eq3A_257 : vector<16xi32>
    %select_n3A_259 = arith.select %eq3A_258, %gather3A_255, %select_n3A_249 : vector<16xi1>, vector<16xf32>
    %get3A_260 = arith.constant 416 : index
    %get3A_261 = tpu.vector_load %arg4[%get3A_260] {strides = array<i32>} : memref<512xf32, #tpu.memory_space<vmem>>, vector<16xf32>,
    %get3A_262 = vector.shape_cast %get3A_261 : vector<16xf32> to vector<16xf32>
    %broadcast_in_dim3A_263 = vector.shape_cast %broadcast_in_dim3A : vector<16xi32> to vector<16x1xi32>
    %gather3A_264 = vector.shape_cast %broadcast_in_dim3A_263 : vector<16x1xi32> to vector<16xi32>
    %gather3A_265 = tpu.dynamic_gather %get3A_262[%gather3A_264] in [0] : vector<16xf32>, vector<16xi32> -> vector<16xf32>
    %eq3A_266 = arith.constant 10 : i32
    %eq3A_267 = vector.broadcast %eq3A_266 : i32 to vector<16xi32>
    %eq3A_268 = arith.cmpi eq, %iota3A, %eq3A_267 : vector<16xi32>
    %select_n3A_269 = arith.select %eq3A_268, %gather3A_265, %select_n3A_259 : vector<16xi1>, vector<16xf32>
    %get3A_270 = arith.constant 432 : index
    %get3A_271 = tpu.vector_load %arg4[%get3A_270] {strides = array<i32>} : memref<512xf32, #tpu.memory_space<vmem>>, vector<16xf32>,
    %get3A_272 = vector.shape_cast %get3A_271 : vector<16xf32> to vector<16xf32>
    %broadcast_in_dim3A_273 = vector.shape_cast %broadcast_in_dim3A : vector<16xi32> to vector<16x1xi32>
    %gather3A_274 = vector.shape_cast %broadcast_in_dim3A_273 : vector<16x1xi32> to vector<16xi32>
    %gather3A_275 = tpu.dynamic_gather %get3A_272[%gather3A_274] in [0] : vector<16xf32>, vector<16xi32> -> vector<16xf32>
    %eq3A_276 = arith.constant 11 : i32
    %eq3A_277 = vector.broadcast %eq3A_276 : i32 to vector<16xi32>
    %eq3A_278 = arith.cmpi eq, %iota3A, %eq3A_277 : vector<16xi32>
    %select_n3A_279 = arith.select %eq3A_278, %gather3A_275, %select_n3A_269 : vector<16xi1>, vector<16xf32>
    %get3A_280 = arith.constant 448 : index
    %get3A_281 = tpu.vector_load %arg4[%get3A_280] {strides = array<i32>} : memref<512xf32, #tpu.memory_space<vmem>>, vector<16xf32>,
    %get3A_282 = vector.shape_cast %get3A_281 : vector<16xf32> to vector<16xf32>
    %broadcast_in_dim3A_283 = vector.shape_cast %broadcast_in_dim3A : vector<16xi32> to vector<16x1xi32>
    %gather3A_284 = vector.shape_cast %broadcast_in_dim3A_283 : vector<16x1xi32> to vector<16xi32>
    %gather3A_285 = tpu.dynamic_gather %get3A_282[%gather3A_284] in [0] : vector<16xf32>, vector<16xi32> -> vector<16xf32>
    %eq3A_286 = arith.constant 12 : i32
    %eq3A_287 = vector.broadcast %eq3A_286 : i32 to vector<16xi32>
    %eq3A_288 = arith.cmpi eq, %iota3A, %eq3A_287 : vector<16xi32>
    %select_n3A_289 = arith.select %eq3A_288, %gather3A_285, %select_n3A_279 : vector<16xi1>, vector<16xf32>
    %get3A_290 = arith.constant 464 : index
    %get3A_291 = tpu.vector_load %arg4[%get3A_290] {strides = array<i32>} : memref<512xf32, #tpu.memory_space<vmem>>, vector<16xf32>,
    %get3A_292 = vector.shape_cast %get3A_291 : vector<16xf32> to vector<16xf32>
    %broadcast_in_dim3A_293 = vector.shape_cast %broadcast_in_dim3A : vector<16xi32> to vector<16x1xi32>
    %gather3A_294 = vector.shape_cast %broadcast_in_dim3A_293 : vector<16x1xi32> to vector<16xi32>
    %gather3A_295 = tpu.dynamic_gather %get3A_292[%gather3A_294] in [0] : vector<16xf32>, vector<16xi32> -> vector<16xf32>
    %eq3A_296 = arith.constant 13 : i32
    %eq3A_297 = vector.broadcast %eq3A_296 : i32 to vector<16xi32>
    %eq3A_298 = arith.cmpi eq, %iota3A, %eq3A_297 : vector<16xi32>
    %select_n3A_299 = arith.select %eq3A_298, %gather3A_295, %select_n3A_289 : vector<16xi1>, vector<16xf32>
    %get3A_300 = arith.constant 480 : index
    %get3A_301 = tpu.vector_load %arg4[%get3A_300] {strides = array<i32>} : memref<512xf32, #tpu.memory_space<vmem>>, vector<16xf32>,
    %get3A_302 = vector.shape_cast %get3A_301 : vector<16xf32> to vector<16xf32>
    %broadcast_in_dim3A_303 = vector.shape_cast %broadcast_in_dim3A : vector<16xi32> to vector<16x1xi32>
    %gather3A_304 = vector.shape_cast %broadcast_in_dim3A_303 : vector<16x1xi32> to vector<16xi32>
    %gather3A_305 = tpu.dynamic_gather %get3A_302[%gather3A_304] in [0] : vector<16xf32>, vector<16xi32> -> vector<16xf32>
    %eq3A_306 = arith.constant 14 : i32
    %eq3A_307 = vector.broadcast %eq3A_306 : i32 to vector<16xi32>
    %eq3A_308 = arith.cmpi eq, %iota3A, %eq3A_307 : vector<16xi32>
    %select_n3A_309 = arith.select %eq3A_308, %gather3A_305, %select_n3A_299 : vector<16xi1>, vector<16xf32>
    %get3A_310 = arith.constant 496 : index
    %get3A_311 = tpu.vector_load %arg4[%get3A_310] {strides = array<i32>} : memref<512xf32, #tpu.memory_space<vmem>>, vector<16xf32>,
    %get3A_312 = vector.shape_cast %get3A_311 : vector<16xf32> to vector<16xf32>
    %broadcast_in_dim3A_313 = vector.shape_cast %broadcast_in_dim3A : vector<16xi32> to vector<16x1xi32>
    %gather3A_314 = vector.shape_cast %broadcast_in_dim3A_313 : vector<16x1xi32> to vector<16xi32>
    %gather3A_315 = tpu.dynamic_gather %get3A_312[%gather3A_314] in [0] : vector<16xf32>, vector<16xi32> -> vector<16xf32>
    %eq3A_316 = arith.constant 15 : i32
    %eq3A_317 = vector.broadcast %eq3A_316 : i32 to vector<16xi32>
    %eq3A_318 = arith.cmpi eq, %iota3A, %eq3A_317 : vector<16xi32>
    %select_n3A_319 = arith.select %eq3A_318, %gather3A_315, %select_n3A_309 : vector<16xi1>, vector<16xf32>
    %parallel_loop3A = arith.constant 0 : i32
    %parallel_loop3A_320 = arith.constant 256 : i32
    %parallel_loop3A_321 = arith.constant 1 : i32
    scf.for %parallel_loop3A_397 = %parallel_loop3A to %parallel_loop3A_320 step %parallel_loop3A_321  : i32 {
      %parallel_loop3A_398 = arith.constant 16 : i32
      %parallel_loop3A_399 = arith.muli %parallel_loop3A_397, %parallel_loop3A_398 : i32
      %parallel_loop3A_400 = vector.broadcast %parallel_loop3A_399 : i32 to vector<16xi32>
      %parallel_loop3A_401 = arith.addi %iota3A, %parallel_loop3A_400 : vector<16xi32>
      %parallel_loop3A_402 = arith.constant 2047 : i32
      %parallel_loop3A_403 = vector.broadcast %parallel_loop3A_402 : i32 to vector<16xi32>
      %parallel_loop3A_404 = arith.subi %parallel_loop3A_401, %parallel_loop3A_403 : vector<16xi32>
      %parallel_loop3A_405 = arith.constant 0 : i32
      %parallel_loop3A_406 = vector.broadcast %parallel_loop3A_405 : i32 to vector<16xi32>
      %parallel_loop3A_407 = arith.subi %parallel_loop3A_406, %parallel_loop3A_404 : vector<16xi32>
      %parallel_loop3A_408 = arith.constant 0 : i32
      %parallel_loop3A_409 = vector.broadcast %parallel_loop3A_408 : i32 to vector<16xi32>
      %parallel_loop3A_410 = arith.cmpi slt, %parallel_loop3A_407, %parallel_loop3A_409 : vector<16xi32>
      %parallel_loop3A_411 = math.absi %parallel_loop3A_407 : vector<16xi32>
      %parallel_loop3A_412 = arith.constant 8 : i32
      %parallel_loop3A_413 = vector.broadcast %parallel_loop3A_412 : i32 to vector<16xi32>
      %parallel_loop3A_414 = arith.cmpi slt, %parallel_loop3A_411, %parallel_loop3A_413 : vector<16xi32>
      %parallel_loop3A_415 = arith.constant 1 : i32
      %parallel_loop3A_416 = vector.broadcast %parallel_loop3A_415 : i32 to vector<16xi32>
      %parallel_loop3A_417 = arith.maxsi %parallel_loop3A_411, %parallel_loop3A_416 : vector<16xi32>
      %parallel_loop3A_418 = arith.muli %parallel_loop3A_417, %parallel_loop3A_417 : vector<16xi32>
      %parallel_loop3A_419 = arith.sitofp %parallel_loop3A_418 : vector<16xi32> to vector<16xf32>
      %parallel_loop3A_420 = tpu.bitcast %parallel_loop3A_419 : vector<16xf32> -> vector<16xi32>
      %parallel_loop3A_421 = arith.constant 23 : i32
      %parallel_loop3A_422 = vector.broadcast %parallel_loop3A_421 : i32 to vector<16xi32>
      %parallel_loop3A_423 = arith.shrsi %parallel_loop3A_420, %parallel_loop3A_422 : vector<16xi32>
      %parallel_loop3A_424 = arith.constant 127 : i32
      %parallel_loop3A_425 = vector.broadcast %parallel_loop3A_424 : i32 to vector<16xi32>
      %parallel_loop3A_426 = arith.subi %parallel_loop3A_423, %parallel_loop3A_425 : vector<16xi32>
      %parallel_loop3A_427 = arith.constant 6 : i32
      %parallel_loop3A_428 = vector.broadcast %parallel_loop3A_427 : i32 to vector<16xi32>
      %parallel_loop3A_429 = arith.subi %parallel_loop3A_426, %parallel_loop3A_428 : vector<16xi32>
      %parallel_loop3A_430 = arith.constant 8 : i32
      %parallel_loop3A_431 = vector.broadcast %parallel_loop3A_430 : i32 to vector<16xi32>
      %parallel_loop3A_432 = arith.addi %parallel_loop3A_431, %parallel_loop3A_429 : vector<16xi32>
      %parallel_loop3A_433 = arith.constant 15 : i32
      %parallel_loop3A_434 = vector.broadcast %parallel_loop3A_433 : i32 to vector<16xi32>
      %parallel_loop3A_435 = arith.minsi %parallel_loop3A_432, %parallel_loop3A_434 : vector<16xi32>
      %parallel_loop3A_436 = arith.select %parallel_loop3A_414, %parallel_loop3A_411, %parallel_loop3A_435 : vector<16xi1>, vector<16xi32>
      %parallel_loop3A_437 = arith.constant 16 : i32
      %parallel_loop3A_438 = vector.broadcast %parallel_loop3A_437 : i32 to vector<16xi32>
      %parallel_loop3A_439 = arith.addi %parallel_loop3A_436, %parallel_loop3A_438 : vector<16xi32>
      %parallel_loop3A_440 = arith.select %parallel_loop3A_410, %parallel_loop3A_439, %parallel_loop3A_436 : vector<16xi1>, vector<16xi32>
      %parallel_loop3A_441 = arith.constant 16 : i32
      %parallel_loop3A_442 = vector.broadcast %parallel_loop3A_441 : i32 to vector<16xi32>
      %parallel_loop3A_443 = arith.cmpi slt, %parallel_loop3A_440, %parallel_loop3A_442 : vector<16xi32>
      %parallel_loop3A_444 = arith.constant 15 : i32
      %parallel_loop3A_445 = vector.broadcast %parallel_loop3A_444 : i32 to vector<16xi32>
      %parallel_loop3A_446 = arith.andi %parallel_loop3A_440, %parallel_loop3A_445 : vector<16xi32>
      %parallel_loop3A_447 = vector.shape_cast %parallel_loop3A_446 : vector<16xi32> to vector<16x1xi32>
      %parallel_loop3A_448 = vector.shape_cast %parallel_loop3A_447 : vector<16x1xi32> to vector<16xi32>
      %parallel_loop3A_449 = tpu.dynamic_gather %select_n3A_159[%parallel_loop3A_448] in [0] : vector<16xf32>, vector<16xi32> -> vector<16xf32>
      %parallel_loop3A_450 = arith.constant 15 : i32
      %parallel_loop3A_451 = vector.broadcast %parallel_loop3A_450 : i32 to vector<16xi32>
      %parallel_loop3A_452 = arith.andi %parallel_loop3A_440, %parallel_loop3A_451 : vector<16xi32>
      %parallel_loop3A_453 = vector.shape_cast %parallel_loop3A_452 : vector<16xi32> to vector<16x1xi32>
      %parallel_loop3A_454 = vector.shape_cast %parallel_loop3A_453 : vector<16x1xi32> to vector<16xi32>
      %parallel_loop3A_455 = tpu.dynamic_gather %select_n3A_319[%parallel_loop3A_454] in [0] : vector<16xf32>, vector<16xi32> -> vector<16xf32>
      %parallel_loop3A_456 = arith.select %parallel_loop3A_443, %parallel_loop3A_449, %parallel_loop3A_455 : vector<16xi1>, vector<16xf32>
      %parallel_loop3A_457 = arith.constant 16 : i32
      %parallel_loop3A_458 = arith.muli %parallel_loop3A_397, %parallel_loop3A_457 : i32
      %parallel_loop3A_459 = arith.index_cast %parallel_loop3A_458 : i32 to index
      %parallel_loop3A_460 = tpu.vector_load %arg5[%parallel_loop3A_459] {strides = array<i32>} : memref<4112xf32, #tpu.memory_space<vmem>>, vector<16xf32>,
      %parallel_loop3A_461 = vector.shape_cast %parallel_loop3A_460 : vector<16xf32> to vector<16xf32>
      %parallel_loop3A_462 = vector.shape_cast %parallel_loop3A_456 : vector<16xf32> to vector<16xf32>
      tpu.vector_store %arg5[%parallel_loop3A_459], %parallel_loop3A_462 {strides = array<i32>} : memref<4112xf32, #tpu.memory_space<vmem>>, vector<16xf32>,
    } {sc.loop_unroll_factor = 4 : i64, sc.parallel_access}
    %parallel_loop3A_322 = arith.constant 0 : i32
    %parallel_loop3A_323 = arith.constant 256 : i32
    %parallel_loop3A_324 = arith.constant 1 : i32
    scf.for %parallel_loop3A_397 = %parallel_loop3A_322 to %parallel_loop3A_323 step %parallel_loop3A_324  : i32 {
      %parallel_loop3A_398 = arith.constant 16 : i32
      %parallel_loop3A_399 = arith.muli %parallel_loop3A_397, %parallel_loop3A_398 : i32
      %parallel_loop3A_400 = arith.index_cast %parallel_loop3A_399 : i32 to index
      %parallel_loop3A_401 = tpu.vector_load %arg5[%parallel_loop3A_400] {strides = array<i32>} : memref<4112xf32, #tpu.memory_space<vmem>>, vector<16xf32>,
      %parallel_loop3A_402 = vector.shape_cast %parallel_loop3A_401 : vector<16xf32> to vector<16xf32>
      %parallel_loop3A_403 = arith.constant 16 : i32
      %parallel_loop3A_404 = arith.muli %parallel_loop3A_397, %parallel_loop3A_403 : i32
      %parallel_loop3A_405 = arith.index_cast %parallel_loop3A_404 : i32 to index
      %parallel_loop3A_406 = tpu.vector_load %arg6[%parallel_loop3A_405] {strides = array<i32>} : memref<32768xf32, #tpu.memory_space<vmem>>, vector<16xf32>,
      %parallel_loop3A_407 = vector.shape_cast %parallel_loop3A_406 : vector<16xf32> to vector<16xf32>
      %parallel_loop3A_408 = vector.shape_cast %parallel_loop3A_402 : vector<16xf32> to vector<16xf32>
      tpu.vector_store %arg6[%parallel_loop3A_405], %parallel_loop3A_408 {strides = array<i32>} : memref<32768xf32, #tpu.memory_space<vmem>>, vector<16xf32>,
    } {sc.loop_unroll_factor = 4 : i64, sc.parallel_access}
    %add3A = arith.constant 1 : i32
    %add3A_325 = vector.broadcast %add3A : i32 to vector<16xi32>
    %add3A_326 = arith.addi %iota3A, %add3A_325 : vector<16xi32>
    %and3A = arith.constant 15 : i32
    %and3A_327 = vector.broadcast %and3A : i32 to vector<16xi32>
    %and3A_328 = arith.andi %add3A_326, %and3A_327 : vector<16xi32>
    %parallel_loop3A_329 = arith.constant 0 : i32
    %parallel_loop3A_330 = arith.constant 256 : i32
    %parallel_loop3A_331 = arith.constant 1 : i32
    scf.for %parallel_loop3A_397 = %parallel_loop3A_329 to %parallel_loop3A_330 step %parallel_loop3A_331  : i32 {
      %parallel_loop3A_398 = arith.constant 16 : i32
      %parallel_loop3A_399 = arith.muli %parallel_loop3A_397, %parallel_loop3A_398 : i32
      %parallel_loop3A_400 = arith.index_cast %parallel_loop3A_399 : i32 to index
      %parallel_loop3A_401 = tpu.vector_load %arg5[%parallel_loop3A_400] {strides = array<i32>} : memref<4112xf32, #tpu.memory_space<vmem>>, vector<16xf32>,
      %parallel_loop3A_402 = vector.shape_cast %parallel_loop3A_401 : vector<16xf32> to vector<16xf32>
      %parallel_loop3A_403 = arith.constant 16 : i32
      %parallel_loop3A_404 = arith.muli %parallel_loop3A_397, %parallel_loop3A_403 : i32
      %parallel_loop3A_405 = arith.constant 16 : i32
      %parallel_loop3A_406 = arith.addi %parallel_loop3A_404, %parallel_loop3A_405 : i32
      %parallel_loop3A_407 = arith.index_cast %parallel_loop3A_406 : i32 to index
      %parallel_loop3A_408 = tpu.vector_load %arg5[%parallel_loop3A_407] {strides = array<i32>} : memref<4112xf32, #tpu.memory_space<vmem>>, vector<16xf32>,
      %parallel_loop3A_409 = vector.shape_cast %parallel_loop3A_408 : vector<16xf32> to vector<16xf32>
      %parallel_loop3A_410 = arith.constant 15 : i32
      %parallel_loop3A_411 = vector.broadcast %parallel_loop3A_410 : i32 to vector<16xi32>
      %parallel_loop3A_412 = arith.cmpi slt, %iota3A, %parallel_loop3A_411 : vector<16xi32>
      %parallel_loop3A_413 = vector.shape_cast %and3A_328 : vector<16xi32> to vector<16x1xi32>
      %parallel_loop3A_414 = vector.shape_cast %parallel_loop3A_413 : vector<16x1xi32> to vector<16xi32>
      %parallel_loop3A_415 = tpu.dynamic_gather %parallel_loop3A_402[%parallel_loop3A_414] in [0] : vector<16xf32>, vector<16xi32> -> vector<16xf32>
      %parallel_loop3A_416 = vector.shape_cast %and3A_328 : vector<16xi32> to vector<16x1xi32>
      %parallel_loop3A_417 = vector.shape_cast %parallel_loop3A_416 : vector<16x1xi32> to vector<16xi32>
      %parallel_loop3A_418 = tpu.dynamic_gather %parallel_loop3A_409[%parallel_loop3A_417] in [0] : vector<16xf32>, vector<16xi32> -> vector<16xf32>
      %parallel_loop3A_419 = arith.select %parallel_loop3A_412, %parallel_loop3A_415, %parallel_loop3A_418 : vector<16xi1>, vector<16xf32>
      %parallel_loop3A_420 = arith.constant 16 : i32
      %parallel_loop3A_421 = arith.muli %parallel_loop3A_397, %parallel_loop3A_420 : i32
      %parallel_loop3A_422 = arith.constant 4096 : i32
      %parallel_loop3A_423 = arith.addi %parallel_loop3A_422, %parallel_loop3A_421 : i32
      %parallel_loop3A_424 = arith.index_cast %parallel_loop3A_423 : i32 to index
      %parallel_loop3A_425 = tpu.vector_load %arg6[%parallel_loop3A_424] {strides = array<i32>} : memref<32768xf32, #tpu.memory_space<vmem>>, vector<16xf32>,
      %parallel_loop3A_426 = vector.shape_cast %parallel_loop3A_425 : vector<16xf32> to vector<16xf32>
      %parallel_loop3A_427 = vector.shape_cast %parallel_loop3A_419 : vector<16xf32> to vector<16xf32>
      tpu.vector_store %arg6[%parallel_loop3A_424], %parallel_loop3A_427 {strides = array<i32>} : memref<32768xf32, #tpu.memory_space<vmem>>, vector<16xf32>,
    } {sc.loop_unroll_factor = 4 : i64, sc.parallel_access}
    %add3A_332 = arith.constant 2 : i32
    %add3A_333 = vector.broadcast %add3A_332 : i32 to vector<16xi32>
    %add3A_334 = arith.addi %iota3A, %add3A_333 : vector<16xi32>
    %and3A_335 = arith.constant 15 : i32
    %and3A_336 = vector.broadcast %and3A_335 : i32 to vector<16xi32>
    %and3A_337 = arith.andi %add3A_334, %and3A_336 : vector<16xi32>
    %parallel_loop3A_338 = arith.constant 0 : i32
    %parallel_loop3A_339 = arith.constant 256 : i32
    %parallel_loop3A_340 = arith.constant 1 : i32
    scf.for %parallel_loop3A_397 = %parallel_loop3A_338 to %parallel_loop3A_339 step %parallel_loop3A_340  : i32 {
      %parallel_loop3A_398 = arith.constant 16 : i32
      %parallel_loop3A_399 = arith.muli %parallel_loop3A_397, %parallel_loop3A_398 : i32
      %parallel_loop3A_400 = arith.index_cast %parallel_loop3A_399 : i32 to index
      %parallel_loop3A_401 = tpu.vector_load %arg5[%parallel_loop3A_400] {strides = array<i32>} : memref<4112xf32, #tpu.memory_space<vmem>>, vector<16xf32>,
      %parallel_loop3A_402 = vector.shape_cast %parallel_loop3A_401 : vector<16xf32> to vector<16xf32>
      %parallel_loop3A_403 = arith.constant 16 : i32
      %parallel_loop3A_404 = arith.muli %parallel_loop3A_397, %parallel_loop3A_403 : i32
      %parallel_loop3A_405 = arith.constant 16 : i32
      %parallel_loop3A_406 = arith.addi %parallel_loop3A_404, %parallel_loop3A_405 : i32
      %parallel_loop3A_407 = arith.index_cast %parallel_loop3A_406 : i32 to index
      %parallel_loop3A_408 = tpu.vector_load %arg5[%parallel_loop3A_407] {strides = array<i32>} : memref<4112xf32, #tpu.memory_space<vmem>>, vector<16xf32>,
      %parallel_loop3A_409 = vector.shape_cast %parallel_loop3A_408 : vector<16xf32> to vector<16xf32>
      %parallel_loop3A_410 = arith.constant 14 : i32
      %parallel_loop3A_411 = vector.broadcast %parallel_loop3A_410 : i32 to vector<16xi32>
      %parallel_loop3A_412 = arith.cmpi slt, %iota3A, %parallel_loop3A_411 : vector<16xi32>
      %parallel_loop3A_413 = vector.shape_cast %and3A_337 : vector<16xi32> to vector<16x1xi32>
      %parallel_loop3A_414 = vector.shape_cast %parallel_loop3A_413 : vector<16x1xi32> to vector<16xi32>
      %parallel_loop3A_415 = tpu.dynamic_gather %parallel_loop3A_402[%parallel_loop3A_414] in [0] : vector<16xf32>, vector<16xi32> -> vector<16xf32>
      %parallel_loop3A_416 = vector.shape_cast %and3A_337 : vector<16xi32> to vector<16x1xi32>
      %parallel_loop3A_417 = vector.shape_cast %parallel_loop3A_416 : vector<16x1xi32> to vector<16xi32>
      %parallel_loop3A_418 = tpu.dynamic_gather %parallel_loop3A_409[%parallel_loop3A_417] in [0] : vector<16xf32>, vector<16xi32> -> vector<16xf32>
      %parallel_loop3A_419 = arith.select %parallel_loop3A_412, %parallel_loop3A_415, %parallel_loop3A_418 : vector<16xi1>, vector<16xf32>
      %parallel_loop3A_420 = arith.constant 16 : i32
      %parallel_loop3A_421 = arith.muli %parallel_loop3A_397, %parallel_loop3A_420 : i32
      %parallel_loop3A_422 = arith.constant 8192 : i32
      %parallel_loop3A_423 = arith.addi %parallel_loop3A_422, %parallel_loop3A_421 : i32
      %parallel_loop3A_424 = arith.index_cast %parallel_loop3A_423 : i32 to index
      %parallel_loop3A_425 = tpu.vector_load %arg6[%parallel_loop3A_424] {strides = array<i32>} : memref<32768xf32, #tpu.memory_space<vmem>>, vector<16xf32>,
      %parallel_loop3A_426 = vector.shape_cast %parallel_loop3A_425 : vector<16xf32> to vector<16xf32>
      %parallel_loop3A_427 = vector.shape_cast %parallel_loop3A_419 : vector<16xf32> to vector<16xf32>
      tpu.vector_store %arg6[%parallel_loop3A_424], %parallel_loop3A_427 {strides = array<i32>} : memref<32768xf32, #tpu.memory_space<vmem>>, vector<16xf32>,
    } {sc.loop_unroll_factor = 4 : i64, sc.parallel_access}
    %add3A_341 = arith.constant 3 : i32
    %add3A_342 = vector.broadcast %add3A_341 : i32 to vector<16xi32>
    %add3A_343 = arith.addi %iota3A, %add3A_342 : vector<16xi32>
    %and3A_344 = arith.constant 15 : i32
    %and3A_345 = vector.broadcast %and3A_344 : i32 to vector<16xi32>
    %and3A_346 = arith.andi %add3A_343, %and3A_345 : vector<16xi32>
    %parallel_loop3A_347 = arith.constant 0 : i32
    %parallel_loop3A_348 = arith.constant 256 : i32
    %parallel_loop3A_349 = arith.constant 1 : i32
    scf.for %parallel_loop3A_397 = %parallel_loop3A_347 to %parallel_loop3A_348 step %parallel_loop3A_349  : i32 {
      %parallel_loop3A_398 = arith.constant 16 : i32
      %parallel_loop3A_399 = arith.muli %parallel_loop3A_397, %parallel_loop3A_398 : i32
      %parallel_loop3A_400 = arith.index_cast %parallel_loop3A_399 : i32 to index
      %parallel_loop3A_401 = tpu.vector_load %arg5[%parallel_loop3A_400] {strides = array<i32>} : memref<4112xf32, #tpu.memory_space<vmem>>, vector<16xf32>,
      %parallel_loop3A_402 = vector.shape_cast %parallel_loop3A_401 : vector<16xf32> to vector<16xf32>
      %parallel_loop3A_403 = arith.constant 16 : i32
      %parallel_loop3A_404 = arith.muli %parallel_loop3A_397, %parallel_loop3A_403 : i32
      %parallel_loop3A_405 = arith.constant 16 : i32
      %parallel_loop3A_406 = arith.addi %parallel_loop3A_404, %parallel_loop3A_405 : i32
      %parallel_loop3A_407 = arith.index_cast %parallel_loop3A_406 : i32 to index
      %parallel_loop3A_408 = tpu.vector_load %arg5[%parallel_loop3A_407] {strides = array<i32>} : memref<4112xf32, #tpu.memory_space<vmem>>, vector<16xf32>,
      %parallel_loop3A_409 = vector.shape_cast %parallel_loop3A_408 : vector<16xf32> to vector<16xf32>
      %parallel_loop3A_410 = arith.constant 13 : i32
      %parallel_loop3A_411 = vector.broadcast %parallel_loop3A_410 : i32 to vector<16xi32>
      %parallel_loop3A_412 = arith.cmpi slt, %iota3A, %parallel_loop3A_411 : vector<16xi32>
      %parallel_loop3A_413 = vector.shape_cast %and3A_346 : vector<16xi32> to vector<16x1xi32>
      %parallel_loop3A_414 = vector.shape_cast %parallel_loop3A_413 : vector<16x1xi32> to vector<16xi32>
      %parallel_loop3A_415 = tpu.dynamic_gather %parallel_loop3A_402[%parallel_loop3A_414] in [0] : vector<16xf32>, vector<16xi32> -> vector<16xf32>
      %parallel_loop3A_416 = vector.shape_cast %and3A_346 : vector<16xi32> to vector<16x1xi32>
      %parallel_loop3A_417 = vector.shape_cast %parallel_loop3A_416 : vector<16x1xi32> to vector<16xi32>
      %parallel_loop3A_418 = tpu.dynamic_gather %parallel_loop3A_409[%parallel_loop3A_417] in [0] : vector<16xf32>, vector<16xi32> -> vector<16xf32>
      %parallel_loop3A_419 = arith.select %parallel_loop3A_412, %parallel_loop3A_415, %parallel_loop3A_418 : vector<16xi1>, vector<16xf32>
      %parallel_loop3A_420 = arith.constant 16 : i32
      %parallel_loop3A_421 = arith.muli %parallel_loop3A_397, %parallel_loop3A_420 : i32
      %parallel_loop3A_422 = arith.constant 12288 : i32
      %parallel_loop3A_423 = arith.addi %parallel_loop3A_422, %parallel_loop3A_421 : i32
      %parallel_loop3A_424 = arith.index_cast %parallel_loop3A_423 : i32 to index
      %parallel_loop3A_425 = tpu.vector_load %arg6[%parallel_loop3A_424] {strides = array<i32>} : memref<32768xf32, #tpu.memory_space<vmem>>, vector<16xf32>,
      %parallel_loop3A_426 = vector.shape_cast %parallel_loop3A_425 : vector<16xf32> to vector<16xf32>
      %parallel_loop3A_427 = vector.shape_cast %parallel_loop3A_419 : vector<16xf32> to vector<16xf32>
      tpu.vector_store %arg6[%parallel_loop3A_424], %parallel_loop3A_427 {strides = array<i32>} : memref<32768xf32, #tpu.memory_space<vmem>>, vector<16xf32>,
    } {sc.loop_unroll_factor = 4 : i64, sc.parallel_access}
    %add3A_350 = arith.constant 4 : i32
    %add3A_351 = vector.broadcast %add3A_350 : i32 to vector<16xi32>
    %add3A_352 = arith.addi %iota3A, %add3A_351 : vector<16xi32>
    %and3A_353 = arith.constant 15 : i32
    %and3A_354 = vector.broadcast %and3A_353 : i32 to vector<16xi32>
    %and3A_355 = arith.andi %add3A_352, %and3A_354 : vector<16xi32>
    %parallel_loop3A_356 = arith.constant 0 : i32
    %parallel_loop3A_357 = arith.constant 256 : i32
    %parallel_loop3A_358 = arith.constant 1 : i32
    scf.for %parallel_loop3A_397 = %parallel_loop3A_356 to %parallel_loop3A_357 step %parallel_loop3A_358  : i32 {
      %parallel_loop3A_398 = arith.constant 16 : i32
      %parallel_loop3A_399 = arith.muli %parallel_loop3A_397, %parallel_loop3A_398 : i32
      %parallel_loop3A_400 = arith.index_cast %parallel_loop3A_399 : i32 to index
      %parallel_loop3A_401 = tpu.vector_load %arg5[%parallel_loop3A_400] {strides = array<i32>} : memref<4112xf32, #tpu.memory_space<vmem>>, vector<16xf32>,
      %parallel_loop3A_402 = vector.shape_cast %parallel_loop3A_401 : vector<16xf32> to vector<16xf32>
      %parallel_loop3A_403 = arith.constant 16 : i32
      %parallel_loop3A_404 = arith.muli %parallel_loop3A_397, %parallel_loop3A_403 : i32
      %parallel_loop3A_405 = arith.constant 16 : i32
      %parallel_loop3A_406 = arith.addi %parallel_loop3A_404, %parallel_loop3A_405 : i32
      %parallel_loop3A_407 = arith.index_cast %parallel_loop3A_406 : i32 to index
      %parallel_loop3A_408 = tpu.vector_load %arg5[%parallel_loop3A_407] {strides = array<i32>} : memref<4112xf32, #tpu.memory_space<vmem>>, vector<16xf32>,
      %parallel_loop3A_409 = vector.shape_cast %parallel_loop3A_408 : vector<16xf32> to vector<16xf32>
      %parallel_loop3A_410 = arith.constant 12 : i32
      %parallel_loop3A_411 = vector.broadcast %parallel_loop3A_410 : i32 to vector<16xi32>
      %parallel_loop3A_412 = arith.cmpi slt, %iota3A, %parallel_loop3A_411 : vector<16xi32>
      %parallel_loop3A_413 = vector.shape_cast %and3A_355 : vector<16xi32> to vector<16x1xi32>
      %parallel_loop3A_414 = vector.shape_cast %parallel_loop3A_413 : vector<16x1xi32> to vector<16xi32>
      %parallel_loop3A_415 = tpu.dynamic_gather %parallel_loop3A_402[%parallel_loop3A_414] in [0] : vector<16xf32>, vector<16xi32> -> vector<16xf32>
      %parallel_loop3A_416 = vector.shape_cast %and3A_355 : vector<16xi32> to vector<16x1xi32>
      %parallel_loop3A_417 = vector.shape_cast %parallel_loop3A_416 : vector<16x1xi32> to vector<16xi32>
      %parallel_loop3A_418 = tpu.dynamic_gather %parallel_loop3A_409[%parallel_loop3A_417] in [0] : vector<16xf32>, vector<16xi32> -> vector<16xf32>
      %parallel_loop3A_419 = arith.select %parallel_loop3A_412, %parallel_loop3A_415, %parallel_loop3A_418 : vector<16xi1>, vector<16xf32>
      %parallel_loop3A_420 = arith.constant 16 : i32
      %parallel_loop3A_421 = arith.muli %parallel_loop3A_397, %parallel_loop3A_420 : i32
      %parallel_loop3A_422 = arith.constant 16384 : i32
      %parallel_loop3A_423 = arith.addi %parallel_loop3A_422, %parallel_loop3A_421 : i32
      %parallel_loop3A_424 = arith.index_cast %parallel_loop3A_423 : i32 to index
      %parallel_loop3A_425 = tpu.vector_load %arg6[%parallel_loop3A_424] {strides = array<i32>} : memref<32768xf32, #tpu.memory_space<vmem>>, vector<16xf32>,
      %parallel_loop3A_426 = vector.shape_cast %parallel_loop3A_425 : vector<16xf32> to vector<16xf32>
      %parallel_loop3A_427 = vector.shape_cast %parallel_loop3A_419 : vector<16xf32> to vector<16xf32>
      tpu.vector_store %arg6[%parallel_loop3A_424], %parallel_loop3A_427 {strides = array<i32>} : memref<32768xf32, #tpu.memory_space<vmem>>, vector<16xf32>,
    } {sc.loop_unroll_factor = 4 : i64, sc.parallel_access}
    %add3A_359 = arith.constant 5 : i32
    %add3A_360 = vector.broadcast %add3A_359 : i32 to vector<16xi32>
    %add3A_361 = arith.addi %iota3A, %add3A_360 : vector<16xi32>
    %and3A_362 = arith.constant 15 : i32
    %and3A_363 = vector.broadcast %and3A_362 : i32 to vector<16xi32>
    %and3A_364 = arith.andi %add3A_361, %and3A_363 : vector<16xi32>
    %parallel_loop3A_365 = arith.constant 0 : i32
    %parallel_loop3A_366 = arith.constant 256 : i32
    %parallel_loop3A_367 = arith.constant 1 : i32
    scf.for %parallel_loop3A_397 = %parallel_loop3A_365 to %parallel_loop3A_366 step %parallel_loop3A_367  : i32 {
      %parallel_loop3A_398 = arith.constant 16 : i32
      %parallel_loop3A_399 = arith.muli %parallel_loop3A_397, %parallel_loop3A_398 : i32
      %parallel_loop3A_400 = arith.index_cast %parallel_loop3A_399 : i32 to index
      %parallel_loop3A_401 = tpu.vector_load %arg5[%parallel_loop3A_400] {strides = array<i32>} : memref<4112xf32, #tpu.memory_space<vmem>>, vector<16xf32>,
      %parallel_loop3A_402 = vector.shape_cast %parallel_loop3A_401 : vector<16xf32> to vector<16xf32>
      %parallel_loop3A_403 = arith.constant 16 : i32
      %parallel_loop3A_404 = arith.muli %parallel_loop3A_397, %parallel_loop3A_403 : i32
      %parallel_loop3A_405 = arith.constant 16 : i32
      %parallel_loop3A_406 = arith.addi %parallel_loop3A_404, %parallel_loop3A_405 : i32
      %parallel_loop3A_407 = arith.index_cast %parallel_loop3A_406 : i32 to index
      %parallel_loop3A_408 = tpu.vector_load %arg5[%parallel_loop3A_407] {strides = array<i32>} : memref<4112xf32, #tpu.memory_space<vmem>>, vector<16xf32>,
      %parallel_loop3A_409 = vector.shape_cast %parallel_loop3A_408 : vector<16xf32> to vector<16xf32>
      %parallel_loop3A_410 = arith.constant 11 : i32
      %parallel_loop3A_411 = vector.broadcast %parallel_loop3A_410 : i32 to vector<16xi32>
      %parallel_loop3A_412 = arith.cmpi slt, %iota3A, %parallel_loop3A_411 : vector<16xi32>
      %parallel_loop3A_413 = vector.shape_cast %and3A_364 : vector<16xi32> to vector<16x1xi32>
      %parallel_loop3A_414 = vector.shape_cast %parallel_loop3A_413 : vector<16x1xi32> to vector<16xi32>
      %parallel_loop3A_415 = tpu.dynamic_gather %parallel_loop3A_402[%parallel_loop3A_414] in [0] : vector<16xf32>, vector<16xi32> -> vector<16xf32>
      %parallel_loop3A_416 = vector.shape_cast %and3A_364 : vector<16xi32> to vector<16x1xi32>
      %parallel_loop3A_417 = vector.shape_cast %parallel_loop3A_416 : vector<16x1xi32> to vector<16xi32>
      %parallel_loop3A_418 = tpu.dynamic_gather %parallel_loop3A_409[%parallel_loop3A_417] in [0] : vector<16xf32>, vector<16xi32> -> vector<16xf32>
      %parallel_loop3A_419 = arith.select %parallel_loop3A_412, %parallel_loop3A_415, %parallel_loop3A_418 : vector<16xi1>, vector<16xf32>
      %parallel_loop3A_420 = arith.constant 16 : i32
      %parallel_loop3A_421 = arith.muli %parallel_loop3A_397, %parallel_loop3A_420 : i32
      %parallel_loop3A_422 = arith.constant 20480 : i32
      %parallel_loop3A_423 = arith.addi %parallel_loop3A_422, %parallel_loop3A_421 : i32
      %parallel_loop3A_424 = arith.index_cast %parallel_loop3A_423 : i32 to index
      %parallel_loop3A_425 = tpu.vector_load %arg6[%parallel_loop3A_424] {strides = array<i32>} : memref<32768xf32, #tpu.memory_space<vmem>>, vector<16xf32>,
      %parallel_loop3A_426 = vector.shape_cast %parallel_loop3A_425 : vector<16xf32> to vector<16xf32>
      %parallel_loop3A_427 = vector.shape_cast %parallel_loop3A_419 : vector<16xf32> to vector<16xf32>
      tpu.vector_store %arg6[%parallel_loop3A_424], %parallel_loop3A_427 {strides = array<i32>} : memref<32768xf32, #tpu.memory_space<vmem>>, vector<16xf32>,
    } {sc.loop_unroll_factor = 4 : i64, sc.parallel_access}
    %add3A_368 = arith.constant 6 : i32
    %add3A_369 = vector.broadcast %add3A_368 : i32 to vector<16xi32>
    %add3A_370 = arith.addi %iota3A, %add3A_369 : vector<16xi32>
    %and3A_371 = arith.constant 15 : i32
    %and3A_372 = vector.broadcast %and3A_371 : i32 to vector<16xi32>
    %and3A_373 = arith.andi %add3A_370, %and3A_372 : vector<16xi32>
    %parallel_loop3A_374 = arith.constant 0 : i32
    %parallel_loop3A_375 = arith.constant 256 : i32
    %parallel_loop3A_376 = arith.constant 1 : i32
    scf.for %parallel_loop3A_397 = %parallel_loop3A_374 to %parallel_loop3A_375 step %parallel_loop3A_376  : i32 {
      %parallel_loop3A_398 = arith.constant 16 : i32
      %parallel_loop3A_399 = arith.muli %parallel_loop3A_397, %parallel_loop3A_398 : i32
      %parallel_loop3A_400 = arith.index_cast %parallel_loop3A_399 : i32 to index
      %parallel_loop3A_401 = tpu.vector_load %arg5[%parallel_loop3A_400] {strides = array<i32>} : memref<4112xf32, #tpu.memory_space<vmem>>, vector<16xf32>,
      %parallel_loop3A_402 = vector.shape_cast %parallel_loop3A_401 : vector<16xf32> to vector<16xf32>
      %parallel_loop3A_403 = arith.constant 16 : i32
      %parallel_loop3A_404 = arith.muli %parallel_loop3A_397, %parallel_loop3A_403 : i32
      %parallel_loop3A_405 = arith.constant 16 : i32
      %parallel_loop3A_406 = arith.addi %parallel_loop3A_404, %parallel_loop3A_405 : i32
      %parallel_loop3A_407 = arith.index_cast %parallel_loop3A_406 : i32 to index
      %parallel_loop3A_408 = tpu.vector_load %arg5[%parallel_loop3A_407] {strides = array<i32>} : memref<4112xf32, #tpu.memory_space<vmem>>, vector<16xf32>,
      %parallel_loop3A_409 = vector.shape_cast %parallel_loop3A_408 : vector<16xf32> to vector<16xf32>
      %parallel_loop3A_410 = arith.constant 10 : i32
      %parallel_loop3A_411 = vector.broadcast %parallel_loop3A_410 : i32 to vector<16xi32>
      %parallel_loop3A_412 = arith.cmpi slt, %iota3A, %parallel_loop3A_411 : vector<16xi32>
      %parallel_loop3A_413 = vector.shape_cast %and3A_373 : vector<16xi32> to vector<16x1xi32>
      %parallel_loop3A_414 = vector.shape_cast %parallel_loop3A_413 : vector<16x1xi32> to vector<16xi32>
      %parallel_loop3A_415 = tpu.dynamic_gather %parallel_loop3A_402[%parallel_loop3A_414] in [0] : vector<16xf32>, vector<16xi32> -> vector<16xf32>
      %parallel_loop3A_416 = vector.shape_cast %and3A_373 : vector<16xi32> to vector<16x1xi32>
      %parallel_loop3A_417 = vector.shape_cast %parallel_loop3A_416 : vector<16x1xi32> to vector<16xi32>
      %parallel_loop3A_418 = tpu.dynamic_gather %parallel_loop3A_409[%parallel_loop3A_417] in [0] : vector<16xf32>, vector<16xi32> -> vector<16xf32>
      %parallel_loop3A_419 = arith.select %parallel_loop3A_412, %parallel_loop3A_415, %parallel_loop3A_418 : vector<16xi1>, vector<16xf32>
      %parallel_loop3A_420 = arith.constant 16 : i32
      %parallel_loop3A_421 = arith.muli %parallel_loop3A_397, %parallel_loop3A_420 : i32
      %parallel_loop3A_422 = arith.constant 24576 : i32
      %parallel_loop3A_423 = arith.addi %parallel_loop3A_422, %parallel_loop3A_421 : i32
      %parallel_loop3A_424 = arith.index_cast %parallel_loop3A_423 : i32 to index
      %parallel_loop3A_425 = tpu.vector_load %arg6[%parallel_loop3A_424] {strides = array<i32>} : memref<32768xf32, #tpu.memory_space<vmem>>, vector<16xf32>,
      %parallel_loop3A_426 = vector.shape_cast %parallel_loop3A_425 : vector<16xf32> to vector<16xf32>
      %parallel_loop3A_427 = vector.shape_cast %parallel_loop3A_419 : vector<16xf32> to vector<16xf32>
      tpu.vector_store %arg6[%parallel_loop3A_424], %parallel_loop3A_427 {strides = array<i32>} : memref<32768xf32, #tpu.memory_space<vmem>>, vector<16xf32>,
    } {sc.loop_unroll_factor = 4 : i64, sc.parallel_access}
    %add3A_377 = arith.constant 7 : i32
    %add3A_378 = vector.broadcast %add3A_377 : i32 to vector<16xi32>
    %add3A_379 = arith.addi %iota3A, %add3A_378 : vector<16xi32>
    %and3A_380 = arith.constant 15 : i32
    %and3A_381 = vector.broadcast %and3A_380 : i32 to vector<16xi32>
    %and3A_382 = arith.andi %add3A_379, %and3A_381 : vector<16xi32>
    %parallel_loop3A_383 = arith.constant 0 : i32
    %parallel_loop3A_384 = arith.constant 256 : i32
    %parallel_loop3A_385 = arith.constant 1 : i32
    scf.for %parallel_loop3A_397 = %parallel_loop3A_383 to %parallel_loop3A_384 step %parallel_loop3A_385  : i32 {
      %parallel_loop3A_398 = arith.constant 16 : i32
      %parallel_loop3A_399 = arith.muli %parallel_loop3A_397, %parallel_loop3A_398 : i32
      %parallel_loop3A_400 = arith.index_cast %parallel_loop3A_399 : i32 to index
      %parallel_loop3A_401 = tpu.vector_load %arg5[%parallel_loop3A_400] {strides = array<i32>} : memref<4112xf32, #tpu.memory_space<vmem>>, vector<16xf32>,
      %parallel_loop3A_402 = vector.shape_cast %parallel_loop3A_401 : vector<16xf32> to vector<16xf32>
      %parallel_loop3A_403 = arith.constant 16 : i32
      %parallel_loop3A_404 = arith.muli %parallel_loop3A_397, %parallel_loop3A_403 : i32
      %parallel_loop3A_405 = arith.constant 16 : i32
      %parallel_loop3A_406 = arith.addi %parallel_loop3A_404, %parallel_loop3A_405 : i32
      %parallel_loop3A_407 = arith.index_cast %parallel_loop3A_406 : i32 to index
      %parallel_loop3A_408 = tpu.vector_load %arg5[%parallel_loop3A_407] {strides = array<i32>} : memref<4112xf32, #tpu.memory_space<vmem>>, vector<16xf32>,
      %parallel_loop3A_409 = vector.shape_cast %parallel_loop3A_408 : vector<16xf32> to vector<16xf32>
      %parallel_loop3A_410 = arith.constant 9 : i32
      %parallel_loop3A_411 = vector.broadcast %parallel_loop3A_410 : i32 to vector<16xi32>
      %parallel_loop3A_412 = arith.cmpi slt, %iota3A, %parallel_loop3A_411 : vector<16xi32>
      %parallel_loop3A_413 = vector.shape_cast %and3A_382 : vector<16xi32> to vector<16x1xi32>
      %parallel_loop3A_414 = vector.shape_cast %parallel_loop3A_413 : vector<16x1xi32> to vector<16xi32>
      %parallel_loop3A_415 = tpu.dynamic_gather %parallel_loop3A_402[%parallel_loop3A_414] in [0] : vector<16xf32>, vector<16xi32> -> vector<16xf32>
      %parallel_loop3A_416 = vector.shape_cast %and3A_382 : vector<16xi32> to vector<16x1xi32>
      %parallel_loop3A_417 = vector.shape_cast %parallel_loop3A_416 : vector<16x1xi32> to vector<16xi32>
      %parallel_loop3A_418 = tpu.dynamic_gather %parallel_loop3A_409[%parallel_loop3A_417] in [0] : vector<16xf32>, vector<16xi32> -> vector<16xf32>
      %parallel_loop3A_419 = arith.select %parallel_loop3A_412, %parallel_loop3A_415, %parallel_loop3A_418 : vector<16xi1>, vector<16xf32>
      %parallel_loop3A_420 = arith.constant 16 : i32
      %parallel_loop3A_421 = arith.muli %parallel_loop3A_397, %parallel_loop3A_420 : i32
      %parallel_loop3A_422 = arith.constant 28672 : i32
      %parallel_loop3A_423 = arith.addi %parallel_loop3A_422, %parallel_loop3A_421 : i32
      %parallel_loop3A_424 = arith.index_cast %parallel_loop3A_423 : i32 to index
      %parallel_loop3A_425 = tpu.vector_load %arg6[%parallel_loop3A_424] {strides = array<i32>} : memref<32768xf32, #tpu.memory_space<vmem>>, vector<16xf32>,
      %parallel_loop3A_426 = vector.shape_cast %parallel_loop3A_425 : vector<16xf32> to vector<16xf32>
      %parallel_loop3A_427 = vector.shape_cast %parallel_loop3A_419 : vector<16xf32> to vector<16xf32>
      tpu.vector_store %arg6[%parallel_loop3A_424], %parallel_loop3A_427 {strides = array<i32>} : memref<32768xf32, #tpu.memory_space<vmem>>, vector<16xf32>,
    } {sc.loop_unroll_factor = 4 : i64, sc.parallel_access}
    %scan3A = arith.constant 0 : i32
    %scan3A_386 = arith.constant 0 : i32
    %scan3A_387 = arith.constant 128 : i32
    %scan3A_388 = arith.addi %scan3A_386, %scan3A_387 : i32
    %scan3A_389 = arith.constant 1 : i32
    scf.for %scan3A_397 = %scan3A_386 to %scan3A_388 step %scan3A_389  : i32 {
      %mul3A = arith.constant 128 : i32
      %mul3A_398 = arith.muli %arg0, %mul3A : i32
      %sub3A = arith.constant 255 : i32
      %sub3A_399 = arith.subi %sub3A, %mul3A_398 : i32
      %sub3A_400 = arith.subi %sub3A_399, %scan3A_397 : i32
      %mul3A_401 = arith.constant 8 : i32
      %mul3A_402 = arith.muli %sub3A_400, %mul3A_401 : i32
      %multiple_of3A = tpu.assume_multiple %mul3A_402, 8 : i32
      %ge3A = arith.constant 2 : i32
      %ge3A_403 = arith.cmpi sge, %scan3A_397, %ge3A : i32
      %convert_element_type3A = arith.extui %ge3A_403 : i1 to i32
      %cond3A = arith.constant 0 : i32
      %cond3A_404 = arith.cmpi ne, %convert_element_type3A, %cond3A : i32
      scf.if %cond3A_404 {
        %dma_wait3A = arith.constant 0 : i32
        %dma_wait3A_418 = arith.constant 0 : i32
        %dma_wait3A_419 = arith.constant 0 : i32
        %dma_wait3A_420 = arith.constant 0 : i32
        %dma_wait3A_421 = tpu.memref_slice %arg3[%dma_wait3A, %dma_wait3A_418, %dma_wait3A_419, %dma_wait3A_420] : memref<1x16x2048x2048xf32, #tpu.memory_space<hbm>> -> memref<1x1x8x2048xf32, #tpu.memory_space<hbm>>
        %dma_wait3A_422 = tpu.memref_squeeze %dma_wait3A_421 : memref<1x1x8x2048xf32, #tpu.memory_space<hbm>> -> memref<8x2048xf32, #tpu.memory_space<hbm>>
        %dma_wait3A_423 = arith.constant 0 : i32
        %dma_wait3A_424 = arith.constant 0 : i32
        %dma_wait3A_425 = tpu.memref_slice %arg3[%dma_wait3A, %dma_wait3A_418, %dma_wait3A_423, %dma_wait3A_424] : memref<1x16x2048x2048xf32, #tpu.memory_space<hbm>> -> memref<1x1x8x2048xf32, #tpu.memory_space<hbm>>
        %dma_wait3A_426 = tpu.memref_squeeze %dma_wait3A_425 : memref<1x1x8x2048xf32, #tpu.memory_space<hbm>> -> memref<8x2048xf32, #tpu.memory_space<hbm>>
        tpu.wait_dma2 semaphore(%arg9 : memref<!tpu.dma_semaphore, #tpu.memory_space<semaphore_mem>>) src(%arg7 : memref<8x2048xf32, #tpu.memory_space<vmem>>) dst(%dma_wait3A_426 : memref<8x2048xf32, #tpu.memory_space<hbm>>)
      } else {
      }
      %rem3A = arith.constant 2 : i32
      %rem3A_405 = arith.remsi %scan3A_397, %rem3A : i32
      %eq3A_406 = arith.constant 0 : i32
      %eq3A_407 = arith.cmpi eq, %rem3A_405, %eq3A_406 : i32
      %convert_element_type3A_408 = arith.extui %eq3A_407 : i1 to i32
      %cond3A_409 = arith.constant 0 : i32
      %cond3A_410 = arith.cmpi ne, %convert_element_type3A_408, %cond3A_409 : i32
      scf.if %cond3A_410 {
        %parallel_loop3A_418 = arith.constant 0 : i32
        %parallel_loop3A_419 = arith.constant 128 : i32
        %parallel_loop3A_420 = arith.constant 1 : i32
        scf.for %parallel_loop3A_433 = %parallel_loop3A_418 to %parallel_loop3A_419 step %parallel_loop3A_420  : i32 {
          %parallel_loop3A_434 = arith.constant 16 : i32
          %parallel_loop3A_435 = arith.muli %parallel_loop3A_433, %parallel_loop3A_434 : i32
          %parallel_loop3A_436 = tpu.assume_multiple %parallel_loop3A_435, 16 : i32
          %parallel_loop3A_437 = arith.constant 28672 : i32
          %parallel_loop3A_438 = arith.addi %multiple_of3A, %parallel_loop3A_437 : i32
          %parallel_loop3A_439 = arith.addi %parallel_loop3A_438, %parallel_loop3A_436 : i32
          %parallel_loop3A_440 = arith.index_cast %parallel_loop3A_439 : i32 to index
          %parallel_loop3A_441 = tpu.vector_load %arg6[%parallel_loop3A_440] {strides = array<i32>} : memref<32768xf32, #tpu.memory_space<vmem>>, vector<16xf32>,
          %parallel_loop3A_442 = vector.shape_cast %parallel_loop3A_441 : vector<16xf32> to vector<16xf32>
          %parallel_loop3A_443 = arith.constant 0 : i32
          %parallel_loop3A_444 = arith.index_cast %parallel_loop3A_443 : i32 to index
          %parallel_loop3A_445 = arith.index_cast %parallel_loop3A_436 : i32 to index
          %parallel_loop3A_446 = tpu.vector_load %arg7[%parallel_loop3A_444, %parallel_loop3A_445] {strides = array<i32>} : memref<8x2048xf32, #tpu.memory_space<vmem>>, vector<1x16xf32>,
          %parallel_loop3A_447 = vector.shape_cast %parallel_loop3A_446 : vector<1x16xf32> to vector<16xf32>
          %parallel_loop3A_448 = vector.shape_cast %parallel_loop3A_442 : vector<16xf32> to vector<1x16xf32>
          tpu.vector_store %arg7[%parallel_loop3A_444, %parallel_loop3A_445], %parallel_loop3A_448 {strides = array<i32>} : memref<8x2048xf32, #tpu.memory_space<vmem>>, vector<1x16xf32>,
          %parallel_loop3A_449 = arith.constant 24576 : i32
          %parallel_loop3A_450 = arith.addi %multiple_of3A, %parallel_loop3A_449 : i32
          %parallel_loop3A_451 = arith.addi %parallel_loop3A_450, %parallel_loop3A_436 : i32
          %parallel_loop3A_452 = arith.index_cast %parallel_loop3A_451 : i32 to index
          %parallel_loop3A_453 = tpu.vector_load %arg6[%parallel_loop3A_452] {strides = array<i32>} : memref<32768xf32, #tpu.memory_space<vmem>>, vector<16xf32>,
          %parallel_loop3A_454 = vector.shape_cast %parallel_loop3A_453 : vector<16xf32> to vector<16xf32>
          %parallel_loop3A_455 = arith.constant 1 : i32
          %parallel_loop3A_456 = arith.index_cast %parallel_loop3A_455 : i32 to index
          %parallel_loop3A_457 = arith.index_cast %parallel_loop3A_436 : i32 to index
          %parallel_loop3A_458 = tpu.vector_load %arg7[%parallel_loop3A_456, %parallel_loop3A_457] {strides = array<i32>} : memref<8x2048xf32, #tpu.memory_space<vmem>>, vector<1x16xf32>,
          %parallel_loop3A_459 = vector.shape_cast %parallel_loop3A_458 : vector<1x16xf32> to vector<16xf32>
          %parallel_loop3A_460 = vector.shape_cast %parallel_loop3A_454 : vector<16xf32> to vector<1x16xf32>
          tpu.vector_store %arg7[%parallel_loop3A_456, %parallel_loop3A_457], %parallel_loop3A_460 {strides = array<i32>} : memref<8x2048xf32, #tpu.memory_space<vmem>>, vector<1x16xf32>,
          %parallel_loop3A_461 = arith.constant 20480 : i32
          %parallel_loop3A_462 = arith.addi %multiple_of3A, %parallel_loop3A_461 : i32
          %parallel_loop3A_463 = arith.addi %parallel_loop3A_462, %parallel_loop3A_436 : i32
          %parallel_loop3A_464 = arith.index_cast %parallel_loop3A_463 : i32 to index
          %parallel_loop3A_465 = tpu.vector_load %arg6[%parallel_loop3A_464] {strides = array<i32>} : memref<32768xf32, #tpu.memory_space<vmem>>, vector<16xf32>,
          %parallel_loop3A_466 = vector.shape_cast %parallel_loop3A_465 : vector<16xf32> to vector<16xf32>
          %parallel_loop3A_467 = arith.constant 2 : i32
          %parallel_loop3A_468 = arith.index_cast %parallel_loop3A_467 : i32 to index
          %parallel_loop3A_469 = arith.index_cast %parallel_loop3A_436 : i32 to index
          %parallel_loop3A_470 = tpu.vector_load %arg7[%parallel_loop3A_468, %parallel_loop3A_469] {strides = array<i32>} : memref<8x2048xf32, #tpu.memory_space<vmem>>, vector<1x16xf32>,
          %parallel_loop3A_471 = vector.shape_cast %parallel_loop3A_470 : vector<1x16xf32> to vector<16xf32>
          %parallel_loop3A_472 = vector.shape_cast %parallel_loop3A_466 : vector<16xf32> to vector<1x16xf32>
          tpu.vector_store %arg7[%parallel_loop3A_468, %parallel_loop3A_469], %parallel_loop3A_472 {strides = array<i32>} : memref<8x2048xf32, #tpu.memory_space<vmem>>, vector<1x16xf32>,
          %parallel_loop3A_473 = arith.constant 16384 : i32
          %parallel_loop3A_474 = arith.addi %multiple_of3A, %parallel_loop3A_473 : i32
          %parallel_loop3A_475 = arith.addi %parallel_loop3A_474, %parallel_loop3A_436 : i32
          %parallel_loop3A_476 = arith.index_cast %parallel_loop3A_475 : i32 to index
          %parallel_loop3A_477 = tpu.vector_load %arg6[%parallel_loop3A_476] {strides = array<i32>} : memref<32768xf32, #tpu.memory_space<vmem>>, vector<16xf32>,
          %parallel_loop3A_478 = vector.shape_cast %parallel_loop3A_477 : vector<16xf32> to vector<16xf32>
          %parallel_loop3A_479 = arith.constant 3 : i32
          %parallel_loop3A_480 = arith.index_cast %parallel_loop3A_479 : i32 to index
          %parallel_loop3A_481 = arith.index_cast %parallel_loop3A_436 : i32 to index
          %parallel_loop3A_482 = tpu.vector_load %arg7[%parallel_loop3A_480, %parallel_loop3A_481] {strides = array<i32>} : memref<8x2048xf32, #tpu.memory_space<vmem>>, vector<1x16xf32>,
          %parallel_loop3A_483 = vector.shape_cast %parallel_loop3A_482 : vector<1x16xf32> to vector<16xf32>
          %parallel_loop3A_484 = vector.shape_cast %parallel_loop3A_478 : vector<16xf32> to vector<1x16xf32>
          tpu.vector_store %arg7[%parallel_loop3A_480, %parallel_loop3A_481], %parallel_loop3A_484 {strides = array<i32>} : memref<8x2048xf32, #tpu.memory_space<vmem>>, vector<1x16xf32>,
          %parallel_loop3A_485 = arith.constant 12288 : i32
          %parallel_loop3A_486 = arith.addi %multiple_of3A, %parallel_loop3A_485 : i32
          %parallel_loop3A_487 = arith.addi %parallel_loop3A_486, %parallel_loop3A_436 : i32
          %parallel_loop3A_488 = arith.index_cast %parallel_loop3A_487 : i32 to index
          %parallel_loop3A_489 = tpu.vector_load %arg6[%parallel_loop3A_488] {strides = array<i32>} : memref<32768xf32, #tpu.memory_space<vmem>>, vector<16xf32>,
          %parallel_loop3A_490 = vector.shape_cast %parallel_loop3A_489 : vector<16xf32> to vector<16xf32>
          %parallel_loop3A_491 = arith.constant 4 : i32
          %parallel_loop3A_492 = arith.index_cast %parallel_loop3A_491 : i32 to index
          %parallel_loop3A_493 = arith.index_cast %parallel_loop3A_436 : i32 to index
          %parallel_loop3A_494 = tpu.vector_load %arg7[%parallel_loop3A_492, %parallel_loop3A_493] {strides = array<i32>} : memref<8x2048xf32, #tpu.memory_space<vmem>>, vector<1x16xf32>,
          %parallel_loop3A_495 = vector.shape_cast %parallel_loop3A_494 : vector<1x16xf32> to vector<16xf32>
          %parallel_loop3A_496 = vector.shape_cast %parallel_loop3A_490 : vector<16xf32> to vector<1x16xf32>
          tpu.vector_store %arg7[%parallel_loop3A_492, %parallel_loop3A_493], %parallel_loop3A_496 {strides = array<i32>} : memref<8x2048xf32, #tpu.memory_space<vmem>>, vector<1x16xf32>,
          %parallel_loop3A_497 = arith.constant 8192 : i32
          %parallel_loop3A_498 = arith.addi %multiple_of3A, %parallel_loop3A_497 : i32
          %parallel_loop3A_499 = arith.addi %parallel_loop3A_498, %parallel_loop3A_436 : i32
          %parallel_loop3A_500 = arith.index_cast %parallel_loop3A_499 : i32 to index
          %parallel_loop3A_501 = tpu.vector_load %arg6[%parallel_loop3A_500] {strides = array<i32>} : memref<32768xf32, #tpu.memory_space<vmem>>, vector<16xf32>,
          %parallel_loop3A_502 = vector.shape_cast %parallel_loop3A_501 : vector<16xf32> to vector<16xf32>
          %parallel_loop3A_503 = arith.constant 5 : i32
          %parallel_loop3A_504 = arith.index_cast %parallel_loop3A_503 : i32 to index
          %parallel_loop3A_505 = arith.index_cast %parallel_loop3A_436 : i32 to index
          %parallel_loop3A_506 = tpu.vector_load %arg7[%parallel_loop3A_504, %parallel_loop3A_505] {strides = array<i32>} : memref<8x2048xf32, #tpu.memory_space<vmem>>, vector<1x16xf32>,
          %parallel_loop3A_507 = vector.shape_cast %parallel_loop3A_506 : vector<1x16xf32> to vector<16xf32>
          %parallel_loop3A_508 = vector.shape_cast %parallel_loop3A_502 : vector<16xf32> to vector<1x16xf32>
          tpu.vector_store %arg7[%parallel_loop3A_504, %parallel_loop3A_505], %parallel_loop3A_508 {strides = array<i32>} : memref<8x2048xf32, #tpu.memory_space<vmem>>, vector<1x16xf32>,
          %parallel_loop3A_509 = arith.constant 4096 : i32
          %parallel_loop3A_510 = arith.addi %multiple_of3A, %parallel_loop3A_509 : i32
          %parallel_loop3A_511 = arith.addi %parallel_loop3A_510, %parallel_loop3A_436 : i32
          %parallel_loop3A_512 = arith.index_cast %parallel_loop3A_511 : i32 to index
          %parallel_loop3A_513 = tpu.vector_load %arg6[%parallel_loop3A_512] {strides = array<i32>} : memref<32768xf32, #tpu.memory_space<vmem>>, vector<16xf32>,
          %parallel_loop3A_514 = vector.shape_cast %parallel_loop3A_513 : vector<16xf32> to vector<16xf32>
          %parallel_loop3A_515 = arith.constant 6 : i32
          %parallel_loop3A_516 = arith.index_cast %parallel_loop3A_515 : i32 to index
          %parallel_loop3A_517 = arith.index_cast %parallel_loop3A_436 : i32 to index
          %parallel_loop3A_518 = tpu.vector_load %arg7[%parallel_loop3A_516, %parallel_loop3A_517] {strides = array<i32>} : memref<8x2048xf32, #tpu.memory_space<vmem>>, vector<1x16xf32>,
          %parallel_loop3A_519 = vector.shape_cast %parallel_loop3A_518 : vector<1x16xf32> to vector<16xf32>
          %parallel_loop3A_520 = vector.shape_cast %parallel_loop3A_514 : vector<16xf32> to vector<1x16xf32>
          tpu.vector_store %arg7[%parallel_loop3A_516, %parallel_loop3A_517], %parallel_loop3A_520 {strides = array<i32>} : memref<8x2048xf32, #tpu.memory_space<vmem>>, vector<1x16xf32>,
          %parallel_loop3A_521 = arith.constant 0 : i32
          %parallel_loop3A_522 = arith.addi %multiple_of3A, %parallel_loop3A_521 : i32
          %parallel_loop3A_523 = arith.addi %parallel_loop3A_522, %parallel_loop3A_436 : i32
          %parallel_loop3A_524 = arith.index_cast %parallel_loop3A_523 : i32 to index
          %parallel_loop3A_525 = tpu.vector_load %arg6[%parallel_loop3A_524] {strides = array<i32>} : memref<32768xf32, #tpu.memory_space<vmem>>, vector<16xf32>,
          %parallel_loop3A_526 = vector.shape_cast %parallel_loop3A_525 : vector<16xf32> to vector<16xf32>
          %parallel_loop3A_527 = arith.constant 7 : i32
          %parallel_loop3A_528 = arith.index_cast %parallel_loop3A_527 : i32 to index
          %parallel_loop3A_529 = arith.index_cast %parallel_loop3A_436 : i32 to index
          %parallel_loop3A_530 = tpu.vector_load %arg7[%parallel_loop3A_528, %parallel_loop3A_529] {strides = array<i32>} : memref<8x2048xf32, #tpu.memory_space<vmem>>, vector<1x16xf32>,
          %parallel_loop3A_531 = vector.shape_cast %parallel_loop3A_530 : vector<1x16xf32> to vector<16xf32>
          %parallel_loop3A_532 = vector.shape_cast %parallel_loop3A_526 : vector<16xf32> to vector<1x16xf32>
          tpu.vector_store %arg7[%parallel_loop3A_528, %parallel_loop3A_529], %parallel_loop3A_532 {strides = array<i32>} : memref<8x2048xf32, #tpu.memory_space<vmem>>, vector<1x16xf32>,
        } {sc.loop_unroll_factor = 8 : i64, sc.parallel_access}
        %mul3A_421 = arith.constant 128 : i32
        %mul3A_422 = arith.muli %arg0, %mul3A_421 : i32
        %add3A_423 = arith.addi %mul3A_422, %scan3A_397 : i32
        %mul3A_424 = arith.constant 8 : i32
        %mul3A_425 = arith.muli %add3A_423, %mul3A_424 : i32
        %multiple_of3A_426 = tpu.assume_multiple %mul3A_425, 8 : i32
        %dma_start3A = arith.constant 0 : i32
        %dma_start3A_427 = arith.constant 0 : i32
        %dma_start3A_428 = tpu.memref_slice %arg3[%dma_start3A, %arg1, %multiple_of3A_426, %dma_start3A_427] : memref<1x16x2048x2048xf32, #tpu.memory_space<hbm>> -> memref<1x1x8x2048xf32, #tpu.memory_space<hbm>>
        %dma_start3A_429 = tpu.memref_squeeze %dma_start3A_428 : memref<1x1x8x2048xf32, #tpu.memory_space<hbm>> -> memref<8x2048xf32, #tpu.memory_space<hbm>>
        %dma_start3A_430 = arith.constant 0 : i32
        %dma_start3A_431 = tpu.memref_slice %arg3[%dma_start3A, %arg1, %multiple_of3A_426, %dma_start3A_430] : memref<1x16x2048x2048xf32, #tpu.memory_space<hbm>> -> memref<1x1x8x2048xf32, #tpu.memory_space<hbm>>
        %dma_start3A_432 = tpu.memref_squeeze %dma_start3A_431 : memref<1x1x8x2048xf32, #tpu.memory_space<hbm>> -> memref<8x2048xf32, #tpu.memory_space<hbm>>
        tpu.enqueue_dma source(%arg7 : memref<8x2048xf32, #tpu.memory_space<vmem>>) target(%dma_start3A_432 : memref<8x2048xf32, #tpu.memory_space<hbm>>) target_semaphore(%arg9 : memref<!tpu.dma_semaphore, #tpu.memory_space<semaphore_mem>>)
      } else {
      }
      %rem3A_411 = arith.constant 2 : i32
      %rem3A_412 = arith.remsi %scan3A_397, %rem3A_411 : i32
      %eq3A_413 = arith.constant 1 : i32
      %eq3A_414 = arith.cmpi eq, %rem3A_412, %eq3A_413 : i32
      %convert_element_type3A_415 = arith.extui %eq3A_414 : i1 to i32
      %cond3A_416 = arith.constant 0 : i32
      %cond3A_417 = arith.cmpi ne, %convert_element_type3A_415, %cond3A_416 : i32
      scf.if %cond3A_417 {
        %parallel_loop3A_418 = arith.constant 0 : i32
        %parallel_loop3A_419 = arith.constant 128 : i32
        %parallel_loop3A_420 = arith.constant 1 : i32
        scf.for %parallel_loop3A_433 = %parallel_loop3A_418 to %parallel_loop3A_419 step %parallel_loop3A_420  : i32 {
          %parallel_loop3A_434 = arith.constant 16 : i32
          %parallel_loop3A_435 = arith.muli %parallel_loop3A_433, %parallel_loop3A_434 : i32
          %parallel_loop3A_436 = tpu.assume_multiple %parallel_loop3A_435, 16 : i32
          %parallel_loop3A_437 = arith.constant 28672 : i32
          %parallel_loop3A_438 = arith.addi %multiple_of3A, %parallel_loop3A_437 : i32
          %parallel_loop3A_439 = arith.addi %parallel_loop3A_438, %parallel_loop3A_436 : i32
          %parallel_loop3A_440 = arith.index_cast %parallel_loop3A_439 : i32 to index
          %parallel_loop3A_441 = tpu.vector_load %arg6[%parallel_loop3A_440] {strides = array<i32>} : memref<32768xf32, #tpu.memory_space<vmem>>, vector<16xf32>,
          %parallel_loop3A_442 = vector.shape_cast %parallel_loop3A_441 : vector<16xf32> to vector<16xf32>
          %parallel_loop3A_443 = arith.constant 0 : i32
          %parallel_loop3A_444 = arith.index_cast %parallel_loop3A_443 : i32 to index
          %parallel_loop3A_445 = arith.index_cast %parallel_loop3A_436 : i32 to index
          %parallel_loop3A_446 = tpu.vector_load %arg8[%parallel_loop3A_444, %parallel_loop3A_445] {strides = array<i32>} : memref<8x2048xf32, #tpu.memory_space<vmem>>, vector<1x16xf32>,
          %parallel_loop3A_447 = vector.shape_cast %parallel_loop3A_446 : vector<1x16xf32> to vector<16xf32>
          %parallel_loop3A_448 = vector.shape_cast %parallel_loop3A_442 : vector<16xf32> to vector<1x16xf32>
          tpu.vector_store %arg8[%parallel_loop3A_444, %parallel_loop3A_445], %parallel_loop3A_448 {strides = array<i32>} : memref<8x2048xf32, #tpu.memory_space<vmem>>, vector<1x16xf32>,
          %parallel_loop3A_449 = arith.constant 24576 : i32
          %parallel_loop3A_450 = arith.addi %multiple_of3A, %parallel_loop3A_449 : i32
          %parallel_loop3A_451 = arith.addi %parallel_loop3A_450, %parallel_loop3A_436 : i32
          %parallel_loop3A_452 = arith.index_cast %parallel_loop3A_451 : i32 to index
          %parallel_loop3A_453 = tpu.vector_load %arg6[%parallel_loop3A_452] {strides = array<i32>} : memref<32768xf32, #tpu.memory_space<vmem>>, vector<16xf32>,
          %parallel_loop3A_454 = vector.shape_cast %parallel_loop3A_453 : vector<16xf32> to vector<16xf32>
          %parallel_loop3A_455 = arith.constant 1 : i32
          %parallel_loop3A_456 = arith.index_cast %parallel_loop3A_455 : i32 to index
          %parallel_loop3A_457 = arith.index_cast %parallel_loop3A_436 : i32 to index
          %parallel_loop3A_458 = tpu.vector_load %arg8[%parallel_loop3A_456, %parallel_loop3A_457] {strides = array<i32>} : memref<8x2048xf32, #tpu.memory_space<vmem>>, vector<1x16xf32>,
          %parallel_loop3A_459 = vector.shape_cast %parallel_loop3A_458 : vector<1x16xf32> to vector<16xf32>
          %parallel_loop3A_460 = vector.shape_cast %parallel_loop3A_454 : vector<16xf32> to vector<1x16xf32>
          tpu.vector_store %arg8[%parallel_loop3A_456, %parallel_loop3A_457], %parallel_loop3A_460 {strides = array<i32>} : memref<8x2048xf32, #tpu.memory_space<vmem>>, vector<1x16xf32>,
          %parallel_loop3A_461 = arith.constant 20480 : i32
          %parallel_loop3A_462 = arith.addi %multiple_of3A, %parallel_loop3A_461 : i32
          %parallel_loop3A_463 = arith.addi %parallel_loop3A_462, %parallel_loop3A_436 : i32
          %parallel_loop3A_464 = arith.index_cast %parallel_loop3A_463 : i32 to index
          %parallel_loop3A_465 = tpu.vector_load %arg6[%parallel_loop3A_464] {strides = array<i32>} : memref<32768xf32, #tpu.memory_space<vmem>>, vector<16xf32>,
          %parallel_loop3A_466 = vector.shape_cast %parallel_loop3A_465 : vector<16xf32> to vector<16xf32>
          %parallel_loop3A_467 = arith.constant 2 : i32
          %parallel_loop3A_468 = arith.index_cast %parallel_loop3A_467 : i32 to index
          %parallel_loop3A_469 = arith.index_cast %parallel_loop3A_436 : i32 to index
          %parallel_loop3A_470 = tpu.vector_load %arg8[%parallel_loop3A_468, %parallel_loop3A_469] {strides = array<i32>} : memref<8x2048xf32, #tpu.memory_space<vmem>>, vector<1x16xf32>,
          %parallel_loop3A_471 = vector.shape_cast %parallel_loop3A_470 : vector<1x16xf32> to vector<16xf32>
          %parallel_loop3A_472 = vector.shape_cast %parallel_loop3A_466 : vector<16xf32> to vector<1x16xf32>
          tpu.vector_store %arg8[%parallel_loop3A_468, %parallel_loop3A_469], %parallel_loop3A_472 {strides = array<i32>} : memref<8x2048xf32, #tpu.memory_space<vmem>>, vector<1x16xf32>,
          %parallel_loop3A_473 = arith.constant 16384 : i32
          %parallel_loop3A_474 = arith.addi %multiple_of3A, %parallel_loop3A_473 : i32
          %parallel_loop3A_475 = arith.addi %parallel_loop3A_474, %parallel_loop3A_436 : i32
          %parallel_loop3A_476 = arith.index_cast %parallel_loop3A_475 : i32 to index
          %parallel_loop3A_477 = tpu.vector_load %arg6[%parallel_loop3A_476] {strides = array<i32>} : memref<32768xf32, #tpu.memory_space<vmem>>, vector<16xf32>,
          %parallel_loop3A_478 = vector.shape_cast %parallel_loop3A_477 : vector<16xf32> to vector<16xf32>
          %parallel_loop3A_479 = arith.constant 3 : i32
          %parallel_loop3A_480 = arith.index_cast %parallel_loop3A_479 : i32 to index
          %parallel_loop3A_481 = arith.index_cast %parallel_loop3A_436 : i32 to index
          %parallel_loop3A_482 = tpu.vector_load %arg8[%parallel_loop3A_480, %parallel_loop3A_481] {strides = array<i32>} : memref<8x2048xf32, #tpu.memory_space<vmem>>, vector<1x16xf32>,
          %parallel_loop3A_483 = vector.shape_cast %parallel_loop3A_482 : vector<1x16xf32> to vector<16xf32>
          %parallel_loop3A_484 = vector.shape_cast %parallel_loop3A_478 : vector<16xf32> to vector<1x16xf32>
          tpu.vector_store %arg8[%parallel_loop3A_480, %parallel_loop3A_481], %parallel_loop3A_484 {strides = array<i32>} : memref<8x2048xf32, #tpu.memory_space<vmem>>, vector<1x16xf32>,
          %parallel_loop3A_485 = arith.constant 12288 : i32
          %parallel_loop3A_486 = arith.addi %multiple_of3A, %parallel_loop3A_485 : i32
          %parallel_loop3A_487 = arith.addi %parallel_loop3A_486, %parallel_loop3A_436 : i32
          %parallel_loop3A_488 = arith.index_cast %parallel_loop3A_487 : i32 to index
          %parallel_loop3A_489 = tpu.vector_load %arg6[%parallel_loop3A_488] {strides = array<i32>} : memref<32768xf32, #tpu.memory_space<vmem>>, vector<16xf32>,
          %parallel_loop3A_490 = vector.shape_cast %parallel_loop3A_489 : vector<16xf32> to vector<16xf32>
          %parallel_loop3A_491 = arith.constant 4 : i32
          %parallel_loop3A_492 = arith.index_cast %parallel_loop3A_491 : i32 to index
          %parallel_loop3A_493 = arith.index_cast %parallel_loop3A_436 : i32 to index
          %parallel_loop3A_494 = tpu.vector_load %arg8[%parallel_loop3A_492, %parallel_loop3A_493] {strides = array<i32>} : memref<8x2048xf32, #tpu.memory_space<vmem>>, vector<1x16xf32>,
          %parallel_loop3A_495 = vector.shape_cast %parallel_loop3A_494 : vector<1x16xf32> to vector<16xf32>
          %parallel_loop3A_496 = vector.shape_cast %parallel_loop3A_490 : vector<16xf32> to vector<1x16xf32>
          tpu.vector_store %arg8[%parallel_loop3A_492, %parallel_loop3A_493], %parallel_loop3A_496 {strides = array<i32>} : memref<8x2048xf32, #tpu.memory_space<vmem>>, vector<1x16xf32>,
          %parallel_loop3A_497 = arith.constant 8192 : i32
          %parallel_loop3A_498 = arith.addi %multiple_of3A, %parallel_loop3A_497 : i32
          %parallel_loop3A_499 = arith.addi %parallel_loop3A_498, %parallel_loop3A_436 : i32
          %parallel_loop3A_500 = arith.index_cast %parallel_loop3A_499 : i32 to index
          %parallel_loop3A_501 = tpu.vector_load %arg6[%parallel_loop3A_500] {strides = array<i32>} : memref<32768xf32, #tpu.memory_space<vmem>>, vector<16xf32>,
          %parallel_loop3A_502 = vector.shape_cast %parallel_loop3A_501 : vector<16xf32> to vector<16xf32>
          %parallel_loop3A_503 = arith.constant 5 : i32
          %parallel_loop3A_504 = arith.index_cast %parallel_loop3A_503 : i32 to index
          %parallel_loop3A_505 = arith.index_cast %parallel_loop3A_436 : i32 to index
          %parallel_loop3A_506 = tpu.vector_load %arg8[%parallel_loop3A_504, %parallel_loop3A_505] {strides = array<i32>} : memref<8x2048xf32, #tpu.memory_space<vmem>>, vector<1x16xf32>,
          %parallel_loop3A_507 = vector.shape_cast %parallel_loop3A_506 : vector<1x16xf32> to vector<16xf32>
          %parallel_loop3A_508 = vector.shape_cast %parallel_loop3A_502 : vector<16xf32> to vector<1x16xf32>
          tpu.vector_store %arg8[%parallel_loop3A_504, %parallel_loop3A_505], %parallel_loop3A_508 {strides = array<i32>} : memref<8x2048xf32, #tpu.memory_space<vmem>>, vector<1x16xf32>,
          %parallel_loop3A_509 = arith.constant 4096 : i32
          %parallel_loop3A_510 = arith.addi %multiple_of3A, %parallel_loop3A_509 : i32
          %parallel_loop3A_511 = arith.addi %parallel_loop3A_510, %parallel_loop3A_436 : i32
          %parallel_loop3A_512 = arith.index_cast %parallel_loop3A_511 : i32 to index
          %parallel_loop3A_513 = tpu.vector_load %arg6[%parallel_loop3A_512] {strides = array<i32>} : memref<32768xf32, #tpu.memory_space<vmem>>, vector<16xf32>,
          %parallel_loop3A_514 = vector.shape_cast %parallel_loop3A_513 : vector<16xf32> to vector<16xf32>
          %parallel_loop3A_515 = arith.constant 6 : i32
          %parallel_loop3A_516 = arith.index_cast %parallel_loop3A_515 : i32 to index
          %parallel_loop3A_517 = arith.index_cast %parallel_loop3A_436 : i32 to index
          %parallel_loop3A_518 = tpu.vector_load %arg8[%parallel_loop3A_516, %parallel_loop3A_517] {strides = array<i32>} : memref<8x2048xf32, #tpu.memory_space<vmem>>, vector<1x16xf32>,
          %parallel_loop3A_519 = vector.shape_cast %parallel_loop3A_518 : vector<1x16xf32> to vector<16xf32>
          %parallel_loop3A_520 = vector.shape_cast %parallel_loop3A_514 : vector<16xf32> to vector<1x16xf32>
          tpu.vector_store %arg8[%parallel_loop3A_516, %parallel_loop3A_517], %parallel_loop3A_520 {strides = array<i32>} : memref<8x2048xf32, #tpu.memory_space<vmem>>, vector<1x16xf32>,
          %parallel_loop3A_521 = arith.constant 0 : i32
          %parallel_loop3A_522 = arith.addi %multiple_of3A, %parallel_loop3A_521 : i32
          %parallel_loop3A_523 = arith.addi %parallel_loop3A_522, %parallel_loop3A_436 : i32
          %parallel_loop3A_524 = arith.index_cast %parallel_loop3A_523 : i32 to index
          %parallel_loop3A_525 = tpu.vector_load %arg6[%parallel_loop3A_524] {strides = array<i32>} : memref<32768xf32, #tpu.memory_space<vmem>>, vector<16xf32>,
          %parallel_loop3A_526 = vector.shape_cast %parallel_loop3A_525 : vector<16xf32> to vector<16xf32>
          %parallel_loop3A_527 = arith.constant 7 : i32
          %parallel_loop3A_528 = arith.index_cast %parallel_loop3A_527 : i32 to index
          %parallel_loop3A_529 = arith.index_cast %parallel_loop3A_436 : i32 to index
          %parallel_loop3A_530 = tpu.vector_load %arg8[%parallel_loop3A_528, %parallel_loop3A_529] {strides = array<i32>} : memref<8x2048xf32, #tpu.memory_space<vmem>>, vector<1x16xf32>,
          %parallel_loop3A_531 = vector.shape_cast %parallel_loop3A_530 : vector<1x16xf32> to vector<16xf32>
          %parallel_loop3A_532 = vector.shape_cast %parallel_loop3A_526 : vector<16xf32> to vector<1x16xf32>
          tpu.vector_store %arg8[%parallel_loop3A_528, %parallel_loop3A_529], %parallel_loop3A_532 {strides = array<i32>} : memref<8x2048xf32, #tpu.memory_space<vmem>>, vector<1x16xf32>,
        } {sc.loop_unroll_factor = 8 : i64, sc.parallel_access}
        %mul3A_421 = arith.constant 128 : i32
        %mul3A_422 = arith.muli %arg0, %mul3A_421 : i32
        %add3A_423 = arith.addi %mul3A_422, %scan3A_397 : i32
        %mul3A_424 = arith.constant 8 : i32
        %mul3A_425 = arith.muli %add3A_423, %mul3A_424 : i32
        %multiple_of3A_426 = tpu.assume_multiple %mul3A_425, 8 : i32
        %dma_start3A = arith.constant 0 : i32
        %dma_start3A_427 = arith.constant 0 : i32
        %dma_start3A_428 = tpu.memref_slice %arg3[%dma_start3A, %arg1, %multiple_of3A_426, %dma_start3A_427] : memref<1x16x2048x2048xf32, #tpu.memory_space<hbm>> -> memref<1x1x8x2048xf32, #tpu.memory_space<hbm>>
        %dma_start3A_429 = tpu.memref_squeeze %dma_start3A_428 : memref<1x1x8x2048xf32, #tpu.memory_space<hbm>> -> memref<8x2048xf32, #tpu.memory_space<hbm>>
        %dma_start3A_430 = arith.constant 0 : i32
        %dma_start3A_431 = tpu.memref_slice %arg3[%dma_start3A, %arg1, %multiple_of3A_426, %dma_start3A_430] : memref<1x16x2048x2048xf32, #tpu.memory_space<hbm>> -> memref<1x1x8x2048xf32, #tpu.memory_space<hbm>>
        %dma_start3A_432 = tpu.memref_squeeze %dma_start3A_431 : memref<1x1x8x2048xf32, #tpu.memory_space<hbm>> -> memref<8x2048xf32, #tpu.memory_space<hbm>>
        tpu.enqueue_dma source(%arg8 : memref<8x2048xf32, #tpu.memory_space<vmem>>) target(%dma_start3A_432 : memref<8x2048xf32, #tpu.memory_space<hbm>>) target_semaphore(%arg9 : memref<!tpu.dma_semaphore, #tpu.memory_space<semaphore_mem>>)
      } else {
      }
    }
    %scan3A_390 = arith.constant 128 : i32
    %scan3A_391 = arith.constant 0 : i32
    %scan3A_392 = arith.constant 0 : i32
    %scan3A_393 = arith.constant 2 : i32
    %scan3A_394 = arith.addi %scan3A_392, %scan3A_393 : i32
    %scan3A_395 = arith.constant 1 : i32
    scf.for %scan3A_397 = %scan3A_392 to %scan3A_394 step %scan3A_395  : i32 {
      %dma_wait3A = arith.constant 0 : i32
      %dma_wait3A_398 = arith.constant 0 : i32
      %dma_wait3A_399 = arith.constant 0 : i32
      %dma_wait3A_400 = arith.constant 0 : i32
      %dma_wait3A_401 = tpu.memref_slice %arg3[%dma_wait3A, %dma_wait3A_398, %dma_wait3A_399, %dma_wait3A_400] : memref<1x16x2048x2048xf32, #tpu.memory_space<hbm>> -> memref<1x1x8x2048xf32, #tpu.memory_space<hbm>>
      %dma_wait3A_402 = tpu.memref_squeeze %dma_wait3A_401 : memref<1x1x8x2048xf32, #tpu.memory_space<hbm>> -> memref<8x2048xf32, #tpu.memory_space<hbm>>
      %dma_wait3A_403 = arith.constant 0 : i32
      %dma_wait3A_404 = arith.constant 0 : i32
      %dma_wait3A_405 = tpu.memref_slice %arg3[%dma_wait3A, %dma_wait3A_398, %dma_wait3A_403, %dma_wait3A_404] : memref<1x16x2048x2048xf32, #tpu.memory_space<hbm>> -> memref<1x1x8x2048xf32, #tpu.memory_space<hbm>>
      %dma_wait3A_406 = tpu.memref_squeeze %dma_wait3A_405 : memref<1x1x8x2048xf32, #tpu.memory_space<hbm>> -> memref<8x2048xf32, #tpu.memory_space<hbm>>
      tpu.wait_dma2 semaphore(%arg9 : memref<!tpu.dma_semaphore, #tpu.memory_space<semaphore_mem>>) src(%arg7 : memref<8x2048xf32, #tpu.memory_space<vmem>>) dst(%dma_wait3A_406 : memref<8x2048xf32, #tpu.memory_space<hbm>>)
    }
    %scan3A_396 = arith.constant 2 : i32
    return
  }
}

</mosaic_0001>

<sc_bundles>
// kernel: kernel.3.cloned.1.call-start
scs
__scs_entry_jumppad:
0x0: {  	(pc) =	sbr.rel $0x88, $3  }
0x1: {  	(tag) =	ssettag $0x0;
	lr =	simm.s32 $0x1  }
0x2: {  	[smem:$0x3FA0] =	sst lr;
	_ =	strace $0xD0000000  }
0x3: {  	_ = 	snop  }
0x4: {  	_ = 	snop  }
0x5: {  	_ = 	snop  }
0x6: {  	_ = 	snop  }
0x7: {  	_ = 	snop  }
__scs_overlays_trampoline_lowered:
0x8: {  	[smem:$0x3FAF] =	sst s0  }
0x9: {  	[smem:$0x3FB0] =	sst s1  }
0xa: {  	[smem:$0x3FB1] =	sst s2  }
0xb: {  	[smem:$0x3FB2] =	sst s3  }
0xc: {  	[smem:$0x3FB3] =	sst s4  }
0xd: {  	[smem:$0x3FB4] =	sst s5  }
0xe: {  	[smem:$0x3FB5] =	sst s6  }
0xf: {  	[smem:$0x3FB6] =	sst s7  }
0x10: {  	[smem:$0x3FB7] =	sst s8  }
0x11: {  	[smem:$0x3FB8] =	sst s9;
	s0 =	simm.s32 @!p0 $0x0  }
0x12: {  	s1 =	sld [smem:$0x3F9E];
	s0 =	simm.s32 @p0 $0x1  }
0x13: {  	[smem:$0x3FB9] =	sst s0;
	s0 =	simm.s32 @!p1 $0x0  }
0x14: {  	s2 =	sld [smem:$0x3F9D];
	s0 =	simm.s32 @p1 $0x1  }
0x15: {  	[smem:$0x3FBA] =	sst s0;
	s0 =	simm.s32 @!p2 $0x0  }
0x16: {  	s3 =	sld [smem:$0x3FDB];
	s0 =	simm.s32 @p2 $0x1  }
0x17: {  	s4 =	simm.s32 $0x1BF5;
	[smem:$0x3FBC] =	sst s0  }
0x18: {  	s0 =	sld [smem:$0x3F9F];
	_ =	swait.ge [sflag:s4], $0x0  }
0x19: {  	s7 =	sld [smem:$0x3FA0]  }
0x1a: {  	s8 =	sadd.s32 $0xFFFFE003, lr  }
0x1b: {  	s9 =	sadd.s32 $0xFFFFFEF7, lr;
	s5 =	simm.s32 $0xFFFFFFFF;
	p2 =	slt.u32 s8, $0xFFFFF086  }
0x1c: {  	p1 =	slt.u32 s9, $0xF7A;
	s5 =	simm.s32 @!p2 $0x0  }
0x1d: {  	s5 =	simm.s32 @p1 $0x1;
	p0 =	seq.s32 s7, s2  }
0x1e: {  	s7 =	smul.u32 @!p0 $0xF7A, s2;
	p2 =	seq.s32 @!p0 s5, $0x0  }
0x1f: {  	s9 =	smul.u32 $0xF7A, s1;
	s8 =	simm.s32 @!p0 $0x1BF5;
	p2 =	por !p2, p0  }
0x20: {  	[sflag:s8] =	ssyncset.s32 @!p0 $0xFFFFF086;
	s6 =	sadd.s32 @!p0 s3, s7;
	s7 =	simm.s32 @!p0 $0x108  }
0x21: {  	s3 =	sadd.s32 s3, s9;
	s6 =	sadd.s32 @!p0 $0x88, s6;
	s7 =	simm.s32 @p2 $0x1082  }
0x22: {  	[simem:s7], [sflag:s8] =	dma.local @!p0 [hbm:s6], $0xF7A  }
0x23: {  	s9 =	sor.u32 $0xD0000000, s2;
	s6 =	simm.s32 $0x108;
	_ =	swait.ge @!p0 [sflag:s8], $0x0  }
0x24: {  	s3 =	sadd.s32 $0x88, s3;
	s6 =	simm.s32 @!p1 $0x1082;
	[sflag:s4] =	ssyncset.s32 $0xFFFFF086  }
0x25: {  	[simem:s6], [sflag:s4] =	dma.local [hbm:s3], $0xF7A  }
0x26: {  	[smem:$0x3FA0] =	sst s1;
	(tag) =	ssettag s2;
	_ =	strace s9  }
0x27: {  	s1 =	sld [smem:$0x3FB0]  }
0x28: {  	s2 =	sld [smem:$0x3FB1]  }
0x29: {  	s4 =	sld [smem:$0x3FB3]  }
0x2a: {  	p0 =	seq.s32 s5, $0x0;
	s5 =	sld [smem:$0x3FB4]  }
0x2b: {  	s6 =	sld [smem:$0x3FB5]  }
0x2c: {  	s7 =	sld [smem:$0x3FB6]  }
0x2d: {  	s3 =	simm.s32 $0x108;
	s8 =	sld [smem:$0x3FB7]  }
0x2e: {  	s3 =	simm.s32 @!p0 $0x1082;
	s9 =	sld [smem:$0x3FB8]  }
0x2f: {  	lr =	sadd.s32 s0, s3;
	s0 =	sld [smem:$0x3FAF]  }
0x30: {  	s3 =	sld [smem:$0x3FB2]  }
0x31: {  	[smem:$0x3FBB] =	sst s10  }
0x32: {  	s10 =	sld [smem:$0x3FB9];
	_ =	sdelay $0x3  }
0x33: {  	p0 =	seq.s32 s10, $0x1;
	s10 =	sld [smem:$0x3FBB];
	_ =	sdelay $0x3  }
0x34: {  	[smem:$0x3FBB] =	sst s10  }
0x35: {  	s10 =	sld [smem:$0x3FBA];
	_ =	sdelay $0x3  }
0x36: {  	p1 =	seq.s32 s10, $0x1;
	s10 =	sld [smem:$0x3FBB];
	_ =	sdelay $0x3  }
0x37: {  	[smem:$0x3FBB] =	sst s10  }
0x38: {  	s10 =	sld [smem:$0x3FBC]  }
0x39: {  	_ = 	snop;
	(pc) =	sbr.ind lr, $3  }
0x3a: {  	_ = 	snop  }
0x3b: {  	_ = 	snop  }
0x3c: {  	p2 =	seq.s32 s10, $0x1;
	s10 =	sld [smem:$0x3FBB]  }
0x3d: {  	_ =	shalt  }
0x3e: {  	_ =	shalt  }
0x3f: {  	_ =	shalt  }
0x40: {  	_ =	shalt  }
0x41: {  	_ =	shalt  }
0x42: {  	_ =	shalt  }
0x43: {  	_ =	shalt  }
0x44: {  	_ =	shalt  }
0x45: {  	_ =	shalt  }
0x46: {  	_ =	shalt  }
0x47: {  	_ =	shalt  }
0x48: {  	_ =	shalt  }
0x49: {  	_ =	shalt  }
0x4a: {  	_ =	shalt  }
0x4b: {  	_ =	shalt  }
0x4c: {  	_ =	shalt  }
0x4d: {  	_ =	shalt  }
0x4e: {  	_ =	shalt  }
0x4f: {  	_ =	shalt  }
0x50: {  	_ =	shalt  }
0x51: {  	_ =	shalt  }
0x52: {  	_ =	shalt  }
0x53: {  	_ =	shalt  }
0x54: {  	_ =	shalt  }
0x55: {  	_ =	shalt  }
0x56: {  	_ =	shalt  }
0x57: {  	_ =	shalt  }
0x58: {  	_ =	shalt  }
0x59: {  	_ =	shalt  }
0x5a: {  	_ =	shalt  }
0x5b: {  	_ =	shalt  }
0x5c: {  	_ =	shalt  }
0x5d: {  	_ =	shalt  }
0x5e: {  	_ =	shalt  }
0x5f: {  	_ =	shalt  }
0x60: {  	_ =	shalt  }
0x61: {  	_ =	shalt  }
0x62: {  	_ =	shalt  }
0x63: {  	_ =	shalt  }
0x64: {  	_ =	shalt  }
0x65: {  	_ =	shalt  }
0x66: {  	_ =	shalt  }
0x67: {  	_ =	shalt  }
0x68: {  	_ =	shalt  }
0x69: {  	_ =	shalt  }
0x6a: {  	_ =	shalt  }
0x6b: {  	_ =	shalt  }
0x6c: {  	_ =	shalt  }
0x6d: {  	_ =	shalt  }
0x6e: {  	_ =	shalt  }
0x6f: {  	_ =	shalt  }
0x70: {  	_ =	shalt  }
0x71: {  	_ =	shalt  }
0x72: {  	_ =	shalt  }
0x73: {  	_ =	shalt  }
0x74: {  	_ =	shalt  }
0x75: {  	_ =	shalt  }
0x76: {  	_ =	shalt  }
0x77: {  	_ =	shalt  }
0x78: {  	_ =	shalt  }
0x79: {  	_ =	shalt  }
0x7a: {  	_ =	shalt  }
0x7b: {  	_ =	shalt  }
0x7c: {  	_ =	shalt  }
0x7d: {  	_ =	shalt  }
0x7e: {  	_ =	shalt  }
0x7f: {  	_ =	shalt  }
0x80: {  	_ =	shalt  }
0x81: {  	_ =	shalt  }
0x82: {  	_ =	shalt  }
0x83: {  	_ =	shalt  }
0x84: {  	_ =	shalt  }
0x85: {  	_ =	shalt  }
0x86: {  	_ =	shalt  }
0x87: {  	_ =	shalt  }
.Lfunc_end0:
.L_simem_size_0:
called_computation_lowered:
.L_overlay_start_0:
0x88: {  	s2 =	sld [smem:$0x3FD9]  }
0x89: {  	s3 =	sld [smem:$0x3FFE];
	_ =	sdelay $0x1  }
0x8a: {  	s1 =	srdreg.scid  }
0x8b: {  	s0 =	sand.u32 $0x1, s1  }
0x8c: {  	s17 =	sshll.u32 s0, $0xA;
	s2 =	sadd.s32 s3, s2  }
0x8d: {  	s2 =	sadd.s32 s2, s17  }
0x8e: {  	[smem:$0x3FC7] =	sst s2  }
0x8f: {  	_ = 	snop  }
0x90: {  	s2 =	sld [smem:$0x3FD0];
	(tm) =	ssettm $0x1  }
0x91: {  	s18 =	sld [smem:$0x3FFB];
	_ =	sdelay $0x3  }
0x92: {  	_ =	strace s18  }
0x93: {  	s3 =	sld [smem:$0x3FFC];
	_ =	sdelay $0x3  }
0x94: {  	_ =	strace s3  }
0x95: {  	s3 =	sld [smem:$0x3FFD];
	_ =	sdelay $0x3  }
0x96: {  	_ =	strace s3  }
0x97: {  	_ =	strace $0x8FFFFFFF  }
0x98: {  	s19 =	sld [smem:$0x3FDB];
	_ =	sdelay $0x1  }
0x99: {  	s4 =	simm.s32 $_scs_section_size  }
0x9a: {  	s5 =	simm.s32 $_size__tile_overlayer_lowered;
	s6 =	simm.s32 $_tile_overlayer_lowered  }
0x9b: {  	s22 =	simm.s32 $0x1BFF;
	s21 =	sshll.u32 s6, $0x1;
	s3 =	sadd.s32 s4, s19  }
0x9c: {  	s7 =	simm.s32 $0x0;
	s20 =	sshll.u32 s5, $0x1;
	s5 =	sadd.s32 s21, s3  }
0x9d: {  	[timem:s7], [sflag:s22] =	dma.local [hbm:s5], s20  }
0x9e: {  	_ =	swait.ge [sflag:s22], s20  }
0x9f: {  	s4 =	ssub.s32 $0x0, s20;
	[sflag:s22] =	ssyncset.done $0x0  }
0xa0: {  	[sflag:s22] =	ssyncadd.s32 s4;
	_ =	sdelay $0x1  }
0xa1: {  	s23 =	simm.s32 $0x1B8B  }
0xa2: {  	_ =	swait.ge [sflag:s23], $0x1  }
0xa3: {  	[sflag:s23] =	ssyncset.done $0x0  }
0xa4: {  	s25 =	simm.s32 $0x1B8E;
	s24 =	sld [smem:$0x3FFE];
	[sflag:s23] =	ssyncadd.s32 $0xFFFFFFFF  }
0xa5: {  	s26 =	simm.s32 $execute0_lowered;
	[smem:$0x3FD2] =	sst s25  }
0xa6: {  	s5 =	sshll.u32 s26, $0x1;
	_ =	strace $0x80000046;
	[dreg:$0x1] =	wrdreg $0xFFFFFFFF  }
0xa7: {  	s28 =	simm.s32 $_size_execute0_lowered;
	s3 =	sadd.s32 s3, s5;
	[dreg:$0x0] =	wrdreg $0x0  }
0xa8: {  	s5 =	sshll.u32 s28, $0x1;
	[dreg:$0x2] =	wrdreg s3  }
0xa9: {  	[dreg:$0x3] =	wrdreg s5  }
0xaa: {  	[dreg:$0x4] =	wrdreg $0xC0  }
0xab: {  	_ =	task [dreg:s7], $0x5FFFF  }
0xac: {  	[dreg:$0x1] =	wrdreg $0xFFFFFFFF  }
0xad: {  	[dreg:$0x0] =	wrdreg $0x60  }
0xae: {  	[dreg:$0x2] =	wrdreg s24  }
0xaf: {  	[dreg:$0x3] =	wrdreg s2  }
0xb0: {  	[dreg:$0x4] =	wrdreg $0x9  }
0xb1: {  	_ =	task.clear_ibuf [dreg:s7], $0x5FFFF;
	_ =	strace $0x90000046  }
0xb2: {  	s29 =	simm.s32 $0x9;
	_ =	strace $0x80000048  }
0xb3: {  	_ =	swait.ge [sflag:s29], $0x1  }
0xb4: {  	[sflag:s29] =	ssyncadd.s32 $0xFFFFFFFF  }
0xb5: {  	_ =	strace $0x90000048  }
0xb6: {  	_ =	sfence  }
0xb7: {  	s30 =	sld [smem:$0x0];
	_ =	sdelay $0x2  }
0xb8: {  	s31 =	sshll.u32 s1, $0xD;
	s1 =	sshrl.u32 s1, $0x2  }
0xb9: {  	s3 =	sand.u32 $0x4000, s31;
	s1 =	sadd.s32 s1, s30  }
0xba: {  	s0 =	sor.u32 s3, s0;
	s1 =	sshll.u32 s1, $0x11  }
0xbb: {  	s0 =	sor.u32 s1, s0  }
0xbc: {  	s0 =	sadd.s32 $0x8F2B, s0  }
0xbd: {  	[sflag:s0] =	ssyncadd.remote.s32 $0x1  }
0xbe: {  	_ =	sfence.sel $0xFFFF  }
0xbf: {  	[dreg:$0x0] =	wrdreg $0xFFFFFFFF;
	(pc) =	sbr.abs _section_cstart, $3  }
0xc0: {  	[dreg:$0x1] =	wrdreg $0xFFFFFFFF  }
0xc1: {  	_ =	task.clear_ibuf [dreg:s7], $0x2FFFF;
	_ =	strace $0x9FFFFFFF  }
0xc2: {  	(tm) =	ssettm $0x7FFFFFFF  }
0xc3: {  	_ =	shalt  }
tec
execute0_lowered:
.L_overlay_start_1:
0x0: {  	(tag) =	ssettag $0x1  }
0x1: {  	vm0 =	vmmov $0x1;
	v1 =	vimm.s32 $0x0  }
0x2: {  	vm2 =	vmmov $0x7;
	vm3 =	vmmov $0xf;
	v2 =	vimm.s32 $0x87654321  }
0x3: {  	v3 =	vimm.s32 $0x10FEDCBA;
	v4 =	vimm.s32 $0x98765432;
	vm4 =	vmmov $0x1f  }
0x4: {  	vm5 =	vmmov $0x3f;
	v5 =	vimm.s32 $0x210FEDCB;
	v6 =	vimm.s32 $0xA9876543  }
0x5: {  	vm6 =	vmmov $0x7f;
	vm7 =	vmmov $0xff;
	v1 =	vsel vm0, $0xFFFFFFFF, v1  }
0x6: {  	v7 =	vimm.s32 $0x43210FED;
	vm0 =	vmmov $0x3;
	[tilespmem:$0x1FFE0] =	vst v1;
	v1 =	vimm.s32 $0x0  }
0x7: {  	v8 =	vimm.s32 $0xCBA98765;
	v9 =	vimm.s32 $0xDCBA9876;
	v1 =	vsel vm0, $0xFFFFFFFF, v1  }
0x8: {  	v3 =	vunpack.c.l.s4.s8 v3;
	v4 =	vunpack.c.l.s4.s8 v4;
	[tilespmem:$0x1FFF0] =	vst v1;
	v1 =	vimm.s32 $0xFEDCBA9  }
0x9: {  	vm8 =	vmmov $0x1ff;
	v2 =	vunpack.c.l.s4.s8 v2;
	v1 =	vunpack.c.l.s4.s8 v1  }
0xa: {  	v6 =	vunpack.c.l.s4.s8 v6;
	v3 =	vunpack.c.0.s8.s32 v3;
	v4 =	vunpack.c.0.s8.s32 v4  }
0xb: {  	v5 =	vunpack.c.l.s4.s8 v5;
	v2 =	vunpack.c.0.s8.s32 v2;
	v1 =	vunpack.c.0.s8.s32 v1  }
0xc: {  	vm9 =	vmmov $0x3ff;
	v3 =	vcombine.low v4, v3;
	v4 =	vunpack.c.0.s8.s32 v6  }
0xd: {  	v2 =	vcombine.low v2, v1;
	v1 =	vunpack.c.0.s8.s32 v5;
	v5 =	vimm.s32 $0x3210FEDC  }
0xe: {  	s6 =	stileid.u32;
	s0 =	rddreg [dreg:$0x0];
	vm10 =	vmmov $0x7ff;
	v6 =	vimm.s32 $0xBA987654;
	v5 =	vunpack.c.l.s4.s8 v5  }
0xf: {  	s1 =	srdreg.scid;
	s3 =	rddreg [dreg:$0x1];
	v7 =	vunpack.c.l.s4.s8 v7;
	v6 =	vunpack.c.l.s4.s8 v6;
	v4 =	vcombine.low v4, v1  }
0x10: {  	s2 =	simm.s32 $0x0;
	s16 =	simm.s32 $0x2;
	s17 =	simm.s32 $0x1;
	v1 =	vunpack.c.0.s8.s32 v5;
	v5 =	vunpack.c.l.s4.s8 v8;
	v8 =	vimm.s32 $0x543210FE  }
0x11: {  	vm11 =	vmmov $0xfff;
	s18 =	simm.s32 $0x0;
	s1 =	sand.u32 $0x1, s1;
	[smem:$0x7FF] =	sst s2;
	v6 =	vunpack.c.0.s8.s32 v6;
	v8 =	vunpack.c.l.s4.s8 v8  }
0x12: {  	v9 =	vunpack.c.l.s4.s8 v9;
	s0 =	sadd.s32 $0x400, s0;
	s22 =	sshll.u32 s6, $0x13;
	s23 =	sshll.u32 s1, $0xA;
	v7 =	vunpack.c.0.s8.s32 v7;
	v5 =	vunpack.c.0.s8.s32 v5  }
0x13: {  	s24 =	sxor.u32 $0x7F8, s23;
	_ =	strace $0x80000047;
	[dreg:$0x3] =	wrdreg s0;
	v6 =	vcombine.low v6, v1;
	v1 =	vunpack.c.0.s8.s32 v8;
	v8 =	vimm.s32 $0x6543210F  }
0x14: {  	s4 =	ssub.s32 $0x2, s1;
	s25 =	sxor.u32 $0x17F8, s23;
	[dreg:$0x5] =	wrdreg s24;
	v7 =	vcombine.low v5, v7;
	v5 =	vunpack.c.0.s8.s32 v9;
	v9 =	vimm.s32 $0xEDCBA987  }
0x15: {  	vm12 =	vmmov $0x1fff;
	s28 =	sshll.u32 s1, $0xC;
	s26 =	sxor.u32 $0x27F8, s23;
	[dreg:$0x6] =	wrdreg s25;
	v8 =	vunpack.c.l.s4.s8 v8;
	v9 =	vunpack.c.l.s4.s8 v9  }
0x16: {  	vm13 =	vmmov $0x3fff;
	v0 =	vmov s6;
	s5 =	sshrl.u32 s4, $0x1;
	s29 =	sxor.u32 $0x37F8, s23;
	[dreg:$0x7] =	wrdreg s26;
	v10 =	vcombine.low v5, v1  }
.Ltmp0:
0x17: {  	s30 =	sxor.u32 $0x47F8, s23;
	[dreg:$0x9] =	wrdreg s29;
	v1 =	vlaneseq.u32;
	v5 =	vunpack.c.0.s8.s32 v8;
	v8 =	vunpack.c.0.s8.s32 v9;
	(pc) =	sbr.rel .LBB2_1-.Ltmp0, $4  }
0x18: {  	vm14 =	vmmov $0x7fff;
	v0 =	vbroadcast v0, $0x0;
	s31 =	sxor.u32 $0x57F8, s23;
	s21 =	ssub.s32 s4, s5;
	[dreg:$0xa] =	wrdreg s30;
	v1 =	vmul.u32 $0xFFFFFFFF, v1  }
0x19: {  	s14 =	sxor.u32 $0x67F8, s23;
	s0 =	smax.u32 s21, $0x1;
	[dreg:$0xb] =	wrdreg s31;
	v3 =	vand.u32 $0xF, v3;
	v2 =	vand.u32 $0xF, v2;
	v8 =	vcombine.low v8, v5  }
0x1a: {  	s15 =	sxor.u32 $0x77F8, s23;
	[dreg:$0x4] =	wrdreg s0;
	s0 =	ssub.s32 $0x0, s28;
	v4 =	vand.u32 $0xF, v4;
	v1 =	vadd.s32 $0x7FF, v1;
	v5 =	vand.u32 $0xF, v6  }
0x1b: {  	s4 =	sshll.u32 s1, $0x7;
	s5 =	sadd.s32 s3, s22;
	[dreg:$0x8] =	wrdreg s0;
	v6 =	vand.u32 $0xF, v7;
	v7 =	vand.u32 $0xF, v10;
	v8 =	vand.u32 $0xF, v8  }
.LBB2_48:
0x1c: {  	_ =	swait.ge [sflag:s17], $0x4000  }
0x1d: {  	[sflag:s17] =	ssyncset.done $0x0  }
0x1e: {  	[sflag:s17] =	ssyncadd.s32 $0xFFFFC000  }
0x1f: {  	_ =	swait.ge [sflag:s17], $0x4000  }
0x20: {  	s18 =	sadd.s32 $0x1, s18;
	s0 =	rddreg [dreg:$0x4]  }
0x21: {  	p0 =	sne.s32 s18, s0  }
.Ltmp1:
0x22: {  	_ = 	snop;
	(pc) =	sbr.rel @!p0 .LBB2_49-.Ltmp1, $3  }
0x23: {  	_ =	sdelay $0x1  }
0x24: {  	[sflag:s17] =	ssyncset.done $0x0  }
0x25: {  	[sflag:s17] =	ssyncadd.s32 $0xFFFFC000  }
.LBB2_1:
0x26: {  	s0 =	rddreg [dreg:$0x3]  }
0x27: {  	[tilespmem:s2], [sflag:$0x2] =	stream.linear.gather [hbm4b:s0+s2], $0x200, $0x38;
	[tilespmem:$0x11280] =	vst v63  }
0x28: {  	_ =	swait.ge [sflag:s16], $0x200  }
0x29: {  	[sflag:s16] =	ssyncset.done $0x0;
	v26 =	vld [tilespmem:$0x1FFE0]  }
0x2a: {  	v49 =	vld [tilespmem:$0x1FFF0];
	[sflag:s16] =	ssyncadd.s32 $0xFFFFFE00  }
0x2b: {  	v9 =	vld [tilespmem:$0x0]  }
0x2c: {  	v10 =	vld [tilespmem:$0x10]  }
0x2d: {  	v11 =	vld [tilespmem:$0x20]  }
0x2e: {  	v12 =	vld [tilespmem:$0x30]  }
0x2f: {  	v13 =	vld [tilespmem:$0x40]  }
0x30: {  	v14 =	vld [tilespmem:$0x50]  }
0x31: {  	v15 =	vld [tilespmem:$0x60]  }
0x32: {  	v16 =	vld [tilespmem:$0x70]  }
0x33: {  	v17 =	vld [tilespmem:$0x80]  }
0x34: {  	v18 =	vld [tilespmem:$0x90]  }
0x35: {  	v19 =	vld [tilespmem:$0xA0]  }
0x36: {  	v20 =	vld [tilespmem:$0xB0]  }
0x37: {  	v21 =	vld [tilespmem:$0xC0]  }
0x38: {  	v22 =	vld [tilespmem:$0xD0]  }
0x39: {  	v23 =	vld [tilespmem:$0xE0];
	v9 =	vperm.xlane v9, v0;
	v10 =	vperm.xlane v10, v0  }
0x3a: {  	v25 =	vld [tilespmem:$0x100];
	vm0 =	vnez.u8 v26;
	v11 =	vperm.xlane v11, v0  }
0x3b: {  	vm1 =	vnez.u8 v49;
	v9 =	vsel vm0, v9, v10;
	v10 =	vperm.xlane v12, v0;
	v12 =	vld [tilespmem:$0x110]  }
0x3c: {  	v9 =	vsel vm1, v9, v11;
	v11 =	vperm.xlane v13, v0;
	v13 =	vld [tilespmem:$0x120]  }
0x3d: {  	v9 =	vsel vm2, v9, v10;
	v10 =	vperm.xlane v14, v0;
	v14 =	vld [tilespmem:$0x130]  }
0x3e: {  	v9 =	vsel vm3, v9, v11;
	v11 =	vperm.xlane v15, v0;
	v15 =	vld [tilespmem:$0x140]  }
0x3f: {  	v9 =	vsel vm4, v9, v10;
	v10 =	vperm.xlane v16, v0;
	v16 =	vld [tilespmem:$0x150]  }
0x40: {  	v50 =	vld [tilespmem:$0x160];
	v9 =	vsel vm5, v9, v11;
	v11 =	vperm.xlane v25, v0;
	v12 =	vperm.xlane v12, v0  }
0x41: {  	v9 =	vsel vm6, v9, v10;
	v10 =	vperm.xlane v17, v0;
	v13 =	vperm.xlane v13, v0;
	v17 =	vld [tilespmem:$0x170]  }
0x42: {  	v11 =	vsel vm0, v11, v12;
	v12 =	vperm.xlane v14, v0;
	v14 =	vld [tilespmem:$0x180]  }
0x43: {  	v9 =	vsel vm7, v9, v10;
	v10 =	vsel vm1, v11, v13;
	v11 =	vperm.xlane v15, v0;
	v13 =	vld [tilespmem:$0x190]  }
0x44: {  	v18 =	vperm.xlane v18, v0;
	v15 =	vld [tilespmem:$0x1A0];
	v10 =	vsel vm2, v10, v12;
	v12 =	vperm.xlane v16, v0  }
0x45: {  	v51 =	vld [tilespmem:$0x1B0];
	v52 =	vperm.xlane v20, v0;
	v10 =	vsel vm3, v10, v11;
	v11 =	vperm.xlane v50, v0  }
0x46: {  	v53 =	vperm.xlane v22, v0;
	v10 =	vsel vm4, v10, v12;
	v12 =	vperm.xlane v17, v0;
	v17 =	vld [tilespmem:$0x1C0]  }
0x47: {  	v16 =	vperm.xlane v19, v0;
	v10 =	vsel vm5, v10, v11;
	v11 =	vperm.xlane v14, v0;
	v14 =	vld [tilespmem:$0x1D0]  }
0x48: {  	v24 =	vld [tilespmem:$0xF0];
	v9 =	vsel vm8, v9, v18;
	v10 =	vsel vm6, v10, v12;
	v12 =	vperm.xlane v13, v0  }
0x49: {  	v9 =	vsel vm9, v9, v16;
	v13 =	vld [tilespmem:$0x1E0];
	v10 =	vsel vm7, v10, v11;
	v11 =	vperm.xlane v15, v0  }
0x4a: {  	v16 =	vperm.xlane v21, v0;
	v15 =	vld [tilespmem:$0x1F0];
	v10 =	vsel vm8, v10, v12;
	v12 =	vperm.xlane v51, v0  }
0x4b: {  	v9 =	vsel vm10, v9, v52;
	v10 =	vsel vm9, v10, v11;
	v11 =	vperm.xlane v17, v0  }
0x4c: {  	v9 =	vsel vm11, v9, v16;
	v10 =	vsel vm10, v10, v12;
	v12 =	vperm.xlane v14, v0  }
0x4d: {  	v9 =	vsel vm12, v9, v53;
	v14 =	vperm.xlane v23, v0;
	v10 =	vsel vm11, v10, v11  }
0x4e: {  	s31 =	simm.s32 $0x20;
	v11 =	vperm.xlane v13, v0;
	v13 =	vperm.xlane v24, v0;
	v10 =	vsel vm12, v10, v12  }
0x4f: {  	v12 =	vperm.xlane v15, v0;
	v9 =	vsel vm13, v9, v14;
	v14 =	vmov s31  }
0x50: {  	s1 =	simm.s32 $0x30;
	v10 =	vsel vm13, v10, v11;
	v9 =	vsel vm14, v9, v13;
	v11 =	vmov s2  }
0x51: {  	s30 =	simm.s32 $0x10;
	v13 =	vmov s1;
	v14 =	vsub.s32 v1, v14;
	v10 =	vsel vm14, v10, v12  }
0x52: {  	v11 =	vsub.s32 v1, v11;
	v12 =	vmov s30;
	v13 =	vsub.s32 v1, v13  }
0x53: {  	v54 =	vmul.u32 v14, v14;
	v58 =	vsub.s32 $0x0, v14;
	v12 =	vsub.s32 v1, v12  }
0x54: {  	v16 =	vsub.s32 $0x0, v13;
	v17 =	vmul.u32 v11, v11;
	v57 =	vsub.s32 $0x0, v11  }
0x55: {  	v22 =	vmin.u32 v14, v58;
	v14 =	vshrl.u32 v14, $0x1B;
	v15 =	vmul.u32 v12, v12  }
0x56: {  	v16 =	vmin.u32 v13, v16;
	v55 =	vsub.s32 $0x0, v12;
	v18 =	vcvt.s32.f32 v54  }
0x57: {  	v21 =	vmin.u32 v11, v57;
	v13 =	vshrl.u32 v13, $0x1B;
	v11 =	vshrl.u32 v11, $0x1B  }
0x58: {  	v14 =	vand.u32 $0x10, v14;
	v56 =	vmax.u32 v16, $0x1;
	v17 =	vcvt.s32.f32 v17  }
0x59: {  	v19 =	vmin.u32 v12, v55;
	v13 =	vand.u32 $0x10, v13;
	v20 =	vmul.u32 v56, v56  }
0x5a: {  	v12 =	vshrl.u32 v12, $0x1B;
	v61 =	vand.u32 $0x10, v11;
	v15 =	vcvt.s32.f32 v15  }
0x5b: {  	v18 =	vshrl.u32 v18, $0x17;
	vm15 =	vlt.u32 v19, $0x8;
	v20 =	vcvt.s32.f32 v20  }
0x5c: {  	v12 =	vand.u32 $0x10, v12;
	v17 =	vshrl.u32 v17, $0x17;
	v15 =	vshrl.u32 v15, $0x17  }
0x5d: {  	v18 =	vmin.u32 v18, $0x8C;
	v15 =	vmin.u32 v15, $0x8C;
	v20 =	vshra.s32 v20, $0x17  }
0x5e: {  	v17 =	vmin.u32 v17, $0x8C;
	v15 =	vadd.s32 $0xFFFFFF83, v15;
	vm0 =	vlt.s32 v20, $0x8C  }
0x5f: {  	v17 =	vadd.s32 $0xFFFFFF83, v17;
	v15 =	vsel vm15, v19, v15;
	v20 =	vnsel vm0, $0x8C, v20  }
0x60: {  	vm15 =	vlt.u32 v21, $0x8;
	vm0 =	vlt.u32 v16, $0x8;
	v20 =	vadd.s32 $0xFFFFFF83, v20  }
0x61: {  	v18 =	vadd.s32 $0xFFFFFF83, v18;
	v17 =	vsel vm15, v21, v17;
	v16 =	vsel vm0, v16, v20  }
0x62: {  	v59 =	vand.u32 $0xF, v17;
	vm0 =	vlt.u32 v22, $0x8;
	v20 =	vand.u32 $0xF, v16  }
0x63: {  	v13 =	vadd.s32 v13, v16;
	v18 =	vsel vm0, v22, v18;
	v16 =	vperm.xlane v9, v20  }
0x64: {  	v20 =	vperm.xlane v10, v20;
	vm0 =	vlt.s32 v13, $0x10;
	v13 =	vand.u32 $0xF, v15  }
0x65: {  	v60 =	vand.u32 $0xF, v18;
	v15 =	vadd.s32 v12, v15;
	v12 =	vperm.xlane v9, v59  }
0x66: {  	v18 =	vadd.s32 v14, v18;
	v14 =	vperm.xlane v10, v59;
	v62 =	vperm.xlane v9, v13  }
0x67: {  	v17 =	vadd.s32 v61, v17;
	v63 =	vperm.xlane v10, v13;
	v11 =	vperm.xlane v9, v60  }
0x68: {  	s3 =	simm.s32 $0x0;
	s1 =	simm.s32 $0x220;
	v13 =	vperm.xlane v10, v60;
	v16 =	vsel vm0, v16, v20;
	vm0 =	vlt.s32 v15, $0x10  }
0x69: {  	s7 =	simm.s32 $0x40;
	s6 =	simm.s32 $0x220;
	s0 =	simm.s32 $0x12A0;
	vm15 =	vlt.s32 v17, $0x10;
	[tilespmem:s1+$0x10] =	vst v16;
	v15 =	vsel vm0, v62, v63;
	vm0 =	vlt.s32 v18, $0x10  }
.LBB2_2:
0x6a: {  	v16 =	vmov s7;
	s8 =	sadd.s32 $0x10, s7;
	s9 =	sadd.s32 $0x30, s7;
	s3 =	sadd.s32 $0x4, s3;
	v12 =	vsel vm15, v12, v14;
	[tilespmem:s6+$0xFFFFFFF0] =	vst v15;
	v11 =	vsel vm0, v11, v13  }
0x6b: {  	v13 =	vsub.s32 v1, v16;
	v14 =	vmov s8;
	s8 =	sadd.s32 $0x20, s7;
	v15 =	vmov s9;
	p0 =	slt.u32 s3, $0xFC;
	[tilespmem:s6+$0x0] =	vst v11  }
0x6c: {  	v11 =	vsub.s32 v1, v14;
	v14 =	vmov s8;
	v15 =	vsub.s32 v1, v15;
	[tilespmem:s6+$0xFFFFFFE0] =	vst v12  }
0x6d: {  	v12 =	vmul.u32 v11, v11;
	v14 =	vsub.s32 v1, v14;
	v16 =	vsub.s32 $0x0, v15  }
0x6e: {  	v17 =	vmul.u32 v13, v13;
	v18 =	vmul.u32 v14, v14;
	v16 =	vmin.u32 v15, v16  }
0x6f: {  	v19 =	vsub.s32 $0x0, v11;
	v12 =	vcvt.s32.f32 v12;
	v20 =	vmax.u32 v16, $0x1  }
0x70: {  	v17 =	vcvt.s32.f32 v17;
	v18 =	vcvt.s32.f32 v18;
	v20 =	vmul.u32 v20, v20  }
0x71: {  	v21 =	vsub.s32 $0x0, v13;
	v22 =	vsub.s32 $0x0, v14;
	v12 =	vshrl.u32 v12, $0x17  }
0x72: {  	v17 =	vshrl.u32 v17, $0x17;
	v18 =	vshrl.u32 v18, $0x17;
	v20 =	vcvt.s32.f32 v20  }
0x73: {  	v17 =	vmin.u32 v17, $0x8C;
	v12 =	vmin.u32 v12, $0x8C;
	v18 =	vmin.u32 v18, $0x8C  }
0x74: {  	v19 =	vmin.u32 v11, v19;
	v22 =	vmin.u32 v14, v22;
	v20 =	vshra.s32 v20, $0x17  }
0x75: {  	v21 =	vmin.u32 v13, v21;
	v12 =	vadd.s32 $0xFFFFFF83, v12;
	vm0 =	vlt.s32 v20, $0x8C  }
0x76: {  	v17 =	vadd.s32 $0xFFFFFF83, v17;
	v18 =	vadd.s32 $0xFFFFFF83, v18;
	v20 =	vnsel vm0, $0x8C, v20  }
0x77: {  	vm15 =	vlt.u32 v16, $0x8;
	vm0 =	vlt.u32 v19, $0x8;
	v20 =	vadd.s32 $0xFFFFFF83, v20  }
0x78: {  	v15 =	vshrl.u32 v15, $0x1B;
	vm1 =	vlt.u32 v22, $0x8;
	v16 =	vsel vm15, v16, v20  }
0x79: {  	v15 =	vand.u32 $0x10, v15;
	vm15 =	vlt.u32 v21, $0x8;
	v20 =	vand.u32 $0xF, v16  }
0x7a: {  	v15 =	vadd.s32 v15, v16;
	v16 =	vperm.xlane v9, v20;
	v20 =	vperm.xlane v10, v20  }
0x7b: {  	v18 =	vsel vm1, v22, v18;
	v12 =	vsel vm0, v19, v12;
	vm0 =	vlt.s32 v15, $0x10  }
0x7c: {  	s6 =	sadd.s32 $0x40, s6;
	v11 =	vshrl.u32 v11, $0x1B;
	v15 =	vsel vm15, v21, v17;
	v16 =	vsel vm0, v16, v20  }
0x7d: {  	v13 =	vshrl.u32 v13, $0x1B;
	v14 =	vshrl.u32 v14, $0x1B;
	v17 =	vand.u32 $0xF, v12;
	[tilespmem:s6+$0x10] =	vst v16  }
0x7e: {  	v11 =	vand.u32 $0x10, v11;
	v19 =	vand.u32 $0xF, v18;
	v16 =	vand.u32 $0xF, v15  }
.Ltmp2:
0x7f: {  	v21 =	vperm.xlane v9, v17;
	v20 =	vand.u32 $0x10, v13;
	v13 =	vand.u32 $0x10, v14;
	(pc) =	sbr.rel @p0 .LBB2_2-.Ltmp2, $4  }
0x80: {  	v22 =	vadd.s32 v11, v12;
	v11 =	vperm.xlane v9, v19;
	v17 =	vperm.xlane v10, v17  }
0x81: {  	v18 =	vadd.s32 v13, v18;
	v13 =	vperm.xlane v10, v19;
	v12 =	vperm.xlane v9, v16  }
0x82: {  	vm0 =	vlt.s32 v22, $0x10;
	v15 =	vadd.s32 v20, v15;
	v14 =	vperm.xlane v10, v16  }
0x83: {  	s7 =	sadd.s32 $0x40, s7;
	vm15 =	vlt.s32 v15, $0x10;
	v15 =	vsel vm0, v21, v17;
	vm0 =	vlt.s32 v18, $0x10  }
0x84: {  	[tilespmem:s6+$0xFFFFFFF0] =	vst v15;
	v9 =	vsel vm0, v11, v13  }
0x85: {  	v10 =	vsel vm15, v12, v14;
	[tilespmem:s6+$0x0] =	vst v9  }
0x86: {  	[tilespmem:s6+$0xFFFFFFE0] =	vst v10  }
0x87: {  	v63 =	vld [tilespmem:s1+$0x0];
	_ =	sdelay $0x1  }
0x88: {  	v9 =	vld [tilespmem:s1+$0xFFFFFFE0]  }
0x89: {  	v10 =	vld [tilespmem:s1+$0xFFFFFFF0]  }
0x8a: {  	s7 =	simm.s32 $0x0;
	v11 =	vld [tilespmem:s1+$0x10]  }
0x8b: {  	s3 =	simm.s32 $0x22B0;
	s8 =	simm.s32 $0x12A0;
	s1 =	simm.s32 $0x260;
	[tilespmem:s0+$0x0] =	vst v63  }
.LBB2_4:
0x8c: {  	s7 =	sadd.s32 $0x4, s7  }
0x8d: {  	v12 =	vld [tilespmem:s1+$0x0];
	[tilespmem:s0+$0xFFFFFFE0] =	vst v9;
	s8 =	sadd.s32 $0x40, s8;
	p0 =	slt.u32 s7, $0xFC  }
.Ltmp3:
0x8e: {  	v9 =	vld [tilespmem:s1+$0xFFFFFFE0];
	[tilespmem:s0+$0xFFFFFFF0] =	vst v10;
	(pc) =	sbr.rel @p0 .LBB2_4-.Ltmp3, $3  }
0x8f: {  	v10 =	vld [tilespmem:s1+$0xFFFFFFF0];
	[tilespmem:s0+$0x10] =	vst v11;
	s0 =	smov.u32 s8  }
0x90: {  	v11 =	vld [tilespmem:s1+$0x10];
	_ =	sdelay $0x1  }
0x91: {  	s6 =	simm.s32 $0x220;
	s9 =	simm.s32 $0x0;
	s1 =	sadd.s32 $0x40, s1;
	[tilespmem:s8+$0x0] =	vst v12  }
0x92: {  	[tilespmem:s0+$0xFFFFFFE0] =	vst v9  }
0x93: {  	[tilespmem:s0+$0xFFFFFFF0] =	vst v10  }
0x94: {  	[tilespmem:s0+$0x10] =	vst v11  }
0x95: {  	v12 =	vld [tilespmem:s6+$0xFFFFFFE0]  }
0x96: {  	v9 =	vld [tilespmem:s6+$0x20]  }
0x97: {  	v11 =	vld [tilespmem:s6+$0x10]  }
0x98: {  	v13 =	vld [tilespmem:s6+$0x0]  }
0x99: {  	v14 =	vld [tilespmem:s6+$0xFFFFFFF0];
	_ =	sdelay $0x1  }
0x9a: {  	s7 =	simm.s32 $0x260  }
0x9b: {  	v10 =	vld [tilespmem:s7+$0xFFFFFFE0];
	v15 =	vperm.xlane v9, v2  }
0x9c: {  	v9 =	vld [tilespmem:s7+$0x20];
	v17 =	vperm.xlane v13, v2;
	v16 =	vperm.xlane v11, v2  }
0x9d: {  	s31 =	simm.s32 $0x40;
	s1 =	sand.u32 $0xFC0, s9;
	s9 =	simm.s32 $0x4;
	v11 =	vld [tilespmem:s7+$0x10];
	v18 =	vperm.xlane v12, v2;
	v19 =	vperm.xlane v14, v2  }
0x9e: {  	s12 =	simm.s32 $0x2A0;
	s19 =	simm.s32 $0x80;
	s0 =	sand.u32 $0xFC0, s31;
	v13 =	vld [tilespmem:s7+$0x0];
	v20 =	vsel vm14, v17, v16  }
0x9f: {  	s10 =	simm.s32 $0x22B0;
	s11 =	smov.u32 s1;
	s8 =	smov.u32 s0;
	v12 =	vld [tilespmem:s7+$0xFFFFFFF0];
	v16 =	vsel vm14, v16, v15;
	v14 =	vsel vm14, v18, v19;
	v15 =	vsel vm14, v19, v17;
	[tilespmem:s3+$0xFFFFFFF0] =	vst v20  }
.LBB2_6:
0xa0: {  	s9 =	sadd.s32 $0x4, s9  }
0xa1: {  	v17 =	vld [tilespmem:s12+$0xFFFFFFE0];
	s13 =	sand.u32 $0xFC0, s19;
	[tilespmem:s3+$0x0] =	vst v16;
	s10 =	sadd.s32 $0x40, s10;
	p0 =	slt.u32 s9, $0xFC  }
.Ltmp4:
0xa2: {  	v16 =	vperm.xlane v9, v2;
	v9 =	vld [tilespmem:s12+$0x20];
	[tilespmem:s3+$0xFFFFFFE0] =	vst v15;
	s3 =	smov.u32 s10;
	(pc) =	sbr.rel @p0 .LBB2_6-.Ltmp4, $4  }
0xa3: {  	v18 =	vperm.xlane v11, v2;
	v15 =	vperm.xlane v13, v2;
	v11 =	vld [tilespmem:s12+$0x10];
	[tilespmem:s11+$0x2280] =	vst v14;
	s11 =	smov.u32 s8;
	s8 =	smov.u32 s13  }
0xa4: {  	v21 =	vperm.xlane v10, v2;
	v13 =	vld [tilespmem:s12+$0x0];
	v19 =	vperm.xlane v12, v2  }
0xa5: {  	v16 =	vsel vm14, v18, v16;
	v12 =	vld [tilespmem:s12+$0xFFFFFFF0];
	v20 =	vsel vm14, v15, v18  }
0xa6: {  	s19 =	sadd.s32 $0x40, s19;
	s12 =	sadd.s32 $0x40, s12;
	v14 =	vsel vm14, v21, v19;
	v15 =	vsel vm14, v19, v15;
	[tilespmem:s10+$0xFFFFFFF0] =	vst v20;
	v10 =	vmov v17  }
0xa7: {  	_ = 	snop  }
0xa8: {  	[tilespmem:s3+$0x0] =	vst v16;
	v9 =	vperm.xlane v9, v2;
	v11 =	vperm.xlane v11, v2  }
0xa9: {  	[tilespmem:s3+$0xFFFFFFE0] =	vst v15;
	v13 =	vperm.xlane v13, v2  }
0xaa: {  	s31 =	sadd.s32 $0x40, s10;
	[tilespmem:s11+$0x2280] =	vst v14;
	v12 =	vperm.xlane v12, v2;
	v9 =	vsel vm14, v11, v9  }
0xab: {  	v10 =	vperm.xlane v10, v2;
	v14 =	vsel vm14, v13, v11;
	[tilespmem:s31+$0x0] =	vst v9  }
0xac: {  	[tilespmem:s31+$0xFFFFFFF0] =	vst v14;
	v11 =	vsel vm14, v12, v13  }
0xad: {  	v9 =	vsel vm14, v10, v12;
	[tilespmem:s31+$0xFFFFFFE0] =	vst v11  }
0xae: {  	[tilespmem:s8+$0x2280] =	vst v9  }
0xaf: {  	v12 =	vld [tilespmem:s6+$0xFFFFFFE0]  }
0xb0: {  	v9 =	vld [tilespmem:s6+$0x20]  }
0xb1: {  	v11 =	vld [tilespmem:s6+$0x10]  }
0xb2: {  	v13 =	vld [tilespmem:s6+$0x0]  }
0xb3: {  	v14 =	vld [tilespmem:s6+$0xFFFFFFF0];
	_ =	sdelay $0x2  }
0xb4: {  	v10 =	vld [tilespmem:s7+$0xFFFFFFE0];
	v15 =	vperm.xlane v9, v3  }
0xb5: {  	v9 =	vld [tilespmem:s7+$0x20];
	v17 =	vperm.xlane v13, v3;
	v16 =	vperm.xlane v11, v3  }
0xb6: {  	v11 =	vld [tilespmem:s7+$0x10];
	v18 =	vperm.xlane v12, v3;
	v19 =	vperm.xlane v14, v3  }
0xb7: {  	s3 =	simm.s32 $0x32B0;
	s9 =	simm.s32 $0x80;
	v13 =	vld [tilespmem:s7+$0x0];
	v20 =	vsel vm13, v17, v16  }
0xb8: {  	s8 =	simm.s32 $0x2A0;
	s6 =	simm.s32 $0x4;
	v12 =	vld [tilespmem:s7+$0xFFFFFFF0];
	s7 =	simm.s32 $0x32B0;
	v16 =	vsel vm13, v16, v15;
	v14 =	vsel vm13, v18, v19;
	v15 =	vsel vm13, v19, v17;
	[tilespmem:s3+$0xFFFFFFF0] =	vst v20  }
.LBB2_8:
0xb9: {  	s6 =	sadd.s32 $0x4, s6  }
0xba: {  	v17 =	vld [tilespmem:s8+$0xFFFFFFE0];
	s10 =	sand.u32 $0xFC0, s9;
	[tilespmem:s3+$0x0] =	vst v16;
	s7 =	sadd.s32 $0x40, s7;
	p0 =	slt.u32 s6, $0xFC  }
.Ltmp5:
0xbb: {  	v16 =	vperm.xlane v9, v3;
	v9 =	vld [tilespmem:s8+$0x20];
	[tilespmem:s3+$0xFFFFFFE0] =	vst v15;
	s3 =	smov.u32 s7;
	(pc) =	sbr.rel @p0 .LBB2_8-.Ltmp5, $4  }
0xbc: {  	v18 =	vperm.xlane v11, v3;
	v15 =	vperm.xlane v13, v3;
	v11 =	vld [tilespmem:s8+$0x10];
	[tilespmem:s1+$0x3280] =	vst v14;
	s1 =	smov.u32 s0;
	s0 =	smov.u32 s10  }
0xbd: {  	v21 =	vperm.xlane v10, v3;
	v13 =	vld [tilespmem:s8+$0x0];
	v19 =	vperm.xlane v12, v3  }
0xbe: {  	v16 =	vsel vm13, v18, v16;
	v12 =	vld [tilespmem:s8+$0xFFFFFFF0];
	v20 =	vsel vm13, v15, v18  }
0xbf: {  	s9 =	sadd.s32 $0x40, s9;
	s8 =	sadd.s32 $0x40, s8;
	v14 =	vsel vm13, v21, v19;
	v15 =	vsel vm13, v19, v15;
	[tilespmem:s7+$0xFFFFFFF0] =	vst v20;
	v10 =	vmov v17  }
0xc0: {  	_ = 	snop  }
0xc1: {  	[tilespmem:s3+$0x0] =	vst v16;
	v9 =	vperm.xlane v9, v3;
	v11 =	vperm.xlane v11, v3  }
0xc2: {  	[tilespmem:s3+$0xFFFFFFE0] =	vst v15;
	v13 =	vperm.xlane v13, v3  }
0xc3: {  	s30 =	sadd.s32 $0x40, s7;
	[tilespmem:s1+$0x3280] =	vst v14;
	v12 =	vperm.xlane v12, v3;
	v9 =	vsel vm13, v11, v9  }
0xc4: {  	v10 =	vperm.xlane v10, v3;
	v14 =	vsel vm13, v13, v11;
	[tilespmem:s30+$0x0] =	vst v9  }
0xc5: {  	[tilespmem:s30+$0xFFFFFFF0] =	vst v14;
	v11 =	vsel vm13, v12, v13  }
0xc6: {  	v9 =	vsel vm13, v10, v12;
	[tilespmem:s30+$0xFFFFFFE0] =	vst v11  }
0xc7: {  	s3 =	simm.s32 $0x220;
	p1 =	por $0x1, $0x1;
	[tilespmem:s0+$0x3280] =	vst v9  }
.Ltmp6:
0xc8: {  	v16 =	vld [tilespmem:s3+$0xFFFFFFE0];
	(pc) =	sbr.rel @!p1 .LBB2_10-.Ltmp6, $4  }
0xc9: {  	v11 =	vld [tilespmem:s3+$0x20]  }
0xca: {  	v12 =	vld [tilespmem:s3+$0x10]  }
0xcb: {  	s31 =	simm.s32 $0x0;
	s7 =	simm.s32 $0x42B0;
	s1 =	simm.s32 $0x260;
	v10 =	vld [tilespmem:s3+$0x0]  }
0xcc: {  	s6 =	simm.s32 $0x40;
	p0 =	por $0x0, $0x0;
	s0 =	sand.u32 $0xFC0, s31;
	v9 =	vld [tilespmem:s3+$0xFFFFFFF0]  }
0xcd: {  	_ = 	snop  }
0xce: {  	p3 =	por $0x1, $0x1  }
.Ltmp7:
0xcf: {  	v13 =	vld [tilespmem:s1+$0xFFFFFFE0];
	v14 =	vperm.xlane v11, v4;
	(pc) =	sbr.rel @!p3 .LBB2_12-.Ltmp7, $4  }
0xd0: {  	v11 =	vld [tilespmem:s1+$0x20];
	v17 =	vperm.xlane v12, v4;
	v15 =	vperm.xlane v10, v4  }
0xd1: {  	s8 =	sand.u32 $0xFC0, s6;
	s12 =	simm.s32 $0x4;
	v16 =	vperm.xlane v16, v4;
	v12 =	vld [tilespmem:s1+$0x10];
	v18 =	vperm.xlane v9, v4  }
0xd2: {  	s19 =	simm.s32 $0x2A0;
	s20 =	simm.s32 $0x80;
	p2 =	por $0x1, $0x1;
	v10 =	vld [tilespmem:s1+$0x0];
	v19 =	vsel vm12, v15, v17  }
0xd3: {  	s9 =	simm.s32 $0x42B0;
	s10 =	simm.s32 $0x42B0;
	s11 =	smov.u32 s0;
	v9 =	vld [tilespmem:s1+$0xFFFFFFF0];
	v17 =	vsel vm12, v17, v14;
	v14 =	vsel vm12, v16, v18;
	v15 =	vsel vm12, v18, v15;
	[tilespmem:s7+$0xFFFFFFF0] =	vst v19  }
.LBB2_13:
0xd4: {  	s12 =	sadd.s32 $0x4, s12  }
0xd5: {  	v16 =	vld [tilespmem:s19+$0xFFFFFFE0];
	s13 =	sand.u32 $0xFC0, s20;
	[tilespmem:s9+$0x0] =	vst v17;
	s10 =	sadd.s32 $0x40, s10;
	p3 =	slt.u32 s12, $0xFC  }
.Ltmp8:
0xd6: {  	v17 =	vperm.xlane v11, v4;
	v11 =	vld [tilespmem:s19+$0x20];
	[tilespmem:s9+$0xFFFFFFE0] =	vst v15;
	s9 =	smov.u32 s10;
	(pc) =	sbr.rel @p3 .LBB2_13-.Ltmp8, $4  }
0xd7: {  	v18 =	vperm.xlane v12, v4;
	v15 =	vperm.xlane v10, v4;
	v12 =	vld [tilespmem:s19+$0x10];
	[tilespmem:s11+$0x4280] =	vst v14;
	s11 =	smov.u32 s8;
	s8 =	smov.u32 s13  }
0xd8: {  	v21 =	vperm.xlane v13, v4;
	v10 =	vld [tilespmem:s19+$0x0];
	v19 =	vperm.xlane v9, v4  }
0xd9: {  	v17 =	vsel vm12, v18, v17;
	v9 =	vld [tilespmem:s19+$0xFFFFFFF0];
	v20 =	vsel vm12, v15, v18  }
0xda: {  	s20 =	sadd.s32 $0x40, s20;
	s19 =	sadd.s32 $0x40, s19;
	v14 =	vsel vm12, v21, v19;
	v15 =	vsel vm12, v19, v15;
	[tilespmem:s10+$0xFFFFFFF0] =	vst v20;
	v13 =	vmov v16  }
0xdb: {  	v16 =	vmov v13  }
.LBB2_15:
0xdc: {  	[tilespmem:s9+$0x0] =	vst @p2 v17;
	v12 =	vperm.xlane v12, v4;
	v11 =	vperm.xlane v11, v4  }
0xdd: {  	s10 =	sadd.s32 @p2 $0x40, s10;
	[tilespmem:s9+$0xFFFFFFE0] =	vst @p2 v15;
	v10 =	vperm.xlane v10, v4  }
0xde: {  	[tilespmem:s11+$0x4280] =	vst @p2 v14;
	s7 =	smov.u32 @p2 s10;
	v9 =	vperm.xlane v9, v4;
	v11 =	vsel vm12, v12, v11  }
0xdf: {  	v14 =	vperm.xlane v16, v4;
	v13 =	vsel vm12, v10, v12;
	[tilespmem:s7+$0x0] =	vst v11  }
0xe0: {  	[tilespmem:s7+$0xFFFFFFF0] =	vst v13;
	v10 =	vsel vm12, v9, v10  }
0xe1: {  	v9 =	vsel vm12, v14, v9;
	[tilespmem:s7+$0xFFFFFFE0] =	vst v10  }
0xe2: {  	[tilespmem:s8+$0x4280] =	vst v9  }
.Ltmp9:
0xe3: {  	v17 =	vld [tilespmem:s3+$0xFFFFFFE0];
	(pc) =	sbr.rel @!p1 .LBB2_16-.Ltmp9, $4  }
0xe4: {  	v11 =	vld [tilespmem:s3+$0x20]  }
0xe5: {  	v13 =	vld [tilespmem:s3+$0x10]  }
0xe6: {  	v10 =	vld [tilespmem:s3+$0x0]  }
0xe7: {  	s7 =	simm.s32 $0x52B0;
	v9 =	vld [tilespmem:s3+$0xFFFFFFF0]  }
0xe8: {  	_ = 	snop  }
0xe9: {  	p1 =	por $0x1, $0x1  }
.Ltmp10:
0xea: {  	v12 =	vld [tilespmem:s1+$0xFFFFFFE0];
	v14 =	vperm.xlane v11, v5;
	(pc) =	sbr.rel @!p1 .LBB2_18-.Ltmp10, $4  }
0xeb: {  	v11 =	vld [tilespmem:s1+$0x20];
	v16 =	vperm.xlane v13, v5;
	v15 =	vperm.xlane v10, v5  }
0xec: {  	s3 =	sand.u32 $0xFC0, s6;
	v17 =	vperm.xlane v17, v5;
	v13 =	vld [tilespmem:s1+$0x10];
	v18 =	vperm.xlane v9, v5  }
0xed: {  	s8 =	simm.s32 $0x4;
	s9 =	simm.s32 $0x80;
	s10 =	simm.s32 $0x2A0;
	v10 =	vld [tilespmem:s1+$0x0];
	v19 =	vsel vm11, v15, v16  }
0xee: {  	p0 =	por $0x1, $0x1;
	s6 =	simm.s32 $0x52B0;
	v9 =	vld [tilespmem:s1+$0xFFFFFFF0];
	s1 =	simm.s32 $0x52B0;
	v16 =	vsel vm11, v16, v14;
	v14 =	vsel vm11, v17, v18;
	v15 =	vsel vm11, v18, v15;
	[tilespmem:s7+$0xFFFFFFF0] =	vst v19  }
.LBB2_19:
0xef: {  	s8 =	sadd.s32 $0x4, s8  }
0xf0: {  	v17 =	vld [tilespmem:s10+$0xFFFFFFE0];
	s11 =	sand.u32 $0xFC0, s9;
	[tilespmem:s1+$0x0] =	vst v16;
	s6 =	sadd.s32 $0x40, s6;
	p1 =	slt.u32 s8, $0xFC  }
.Ltmp11:
0xf1: {  	v16 =	vperm.xlane v11, v5;
	v11 =	vld [tilespmem:s10+$0x20];
	[tilespmem:s1+$0xFFFFFFE0] =	vst v15;
	s1 =	smov.u32 s6;
	(pc) =	sbr.rel @p1 .LBB2_19-.Ltmp11, $4  }
0xf2: {  	v18 =	vperm.xlane v13, v5;
	v15 =	vperm.xlane v10, v5;
	v13 =	vld [tilespmem:s10+$0x10];
	[tilespmem:s0+$0x5280] =	vst v14;
	s0 =	smov.u32 s3;
	s3 =	smov.u32 s11  }
0xf3: {  	v21 =	vperm.xlane v12, v5;
	v10 =	vld [tilespmem:s10+$0x0];
	v19 =	vperm.xlane v9, v5  }
0xf4: {  	v16 =	vsel vm11, v18, v16;
	v9 =	vld [tilespmem:s10+$0xFFFFFFF0];
	v20 =	vsel vm11, v15, v18  }
0xf5: {  	s9 =	sadd.s32 $0x40, s9;
	s10 =	sadd.s32 $0x40, s10;
	v14 =	vsel vm11, v21, v19;
	v15 =	vsel vm11, v19, v15;
	[tilespmem:s6+$0xFFFFFFF0] =	vst v20;
	v12 =	vmov v17  }
0xf6: {  	s8 =	smov.u32 s0;
	s0 =	smov.u32 s3;
	v17 =	vmov v12  }
.LBB2_21:
0xf7: {  	[tilespmem:s1+$0x0] =	vst @p0 v16;
	v12 =	vperm.xlane v13, v5;
	v11 =	vperm.xlane v11, v5  }
0xf8: {  	s3 =	sadd.s32 @p0 $0x40, s6;
	[tilespmem:s1+$0xFFFFFFE0] =	vst @p0 v15;
	v10 =	vperm.xlane v10, v5  }
0xf9: {  	[tilespmem:s8+$0x5280] =	vst @p0 v14;
	s7 =	smov.u32 @p0 s3;
	v9 =	vperm.xlane v9, v5;
	v11 =	vsel vm11, v12, v11  }
0xfa: {  	v14 =	vperm.xlane v17, v5;
	v13 =	vsel vm11, v10, v12;
	[tilespmem:s7+$0x0] =	vst v11  }
0xfb: {  	[tilespmem:s7+$0xFFFFFFF0] =	vst v13;
	v10 =	vsel vm11, v9, v10  }
0xfc: {  	v9 =	vsel vm11, v14, v9;
	[tilespmem:s7+$0xFFFFFFE0] =	vst v10  }
0xfd: {  	p1 =	por $0x1, $0x1;
	s3 =	simm.s32 $0x220;
	[tilespmem:s0+$0x5280] =	vst v9  }
.Ltmp12:
0xfe: {  	v16 =	vld [tilespmem:s3+$0xFFFFFFE0];
	(pc) =	sbr.rel @!p1 .LBB2_22-.Ltmp12, $4  }
0xff: {  	v11 =	vld [tilespmem:s3+$0x20]  }
0x100: {  	v12 =	vld [tilespmem:s3+$0x10]  }
0x101: {  	s31 =	simm.s32 $0x0;
	s6 =	simm.s32 $0x40;
	s1 =	simm.s32 $0x260;
	v10 =	vld [tilespmem:s3+$0x0]  }
0x102: {  	p0 =	por $0x0, $0x0;
	s7 =	simm.s32 $0x62B0;
	s0 =	sand.u32 $0xFC0, s31;
	v9 =	vld [tilespmem:s3+$0xFFFFFFF0]  }
0x103: {  	_ = 	snop  }
0x104: {  	p3 =	por $0x1, $0x1  }
.Ltmp13:
0x105: {  	v13 =	vld [tilespmem:s1+$0xFFFFFFE0];
	v14 =	vperm.xlane v11, v6;
	(pc) =	sbr.rel @!p3 .LBB2_24-.Ltmp13, $4  }
0x106: {  	v11 =	vld [tilespmem:s1+$0x20];
	v17 =	vperm.xlane v12, v6;
	v15 =	vperm.xlane v10, v6  }
0x107: {  	s8 =	sand.u32 $0xFC0, s6;
	s12 =	simm.s32 $0x4;
	v16 =	vperm.xlane v16, v6;
	v12 =	vld [tilespmem:s1+$0x10];
	v18 =	vperm.xlane v9, v6  }
0x108: {  	s19 =	simm.s32 $0x80;
	s20 =	simm.s32 $0x2A0;
	p2 =	por $0x1, $0x1;
	v10 =	vld [tilespmem:s1+$0x0];
	v19 =	vsel vm10, v15, v17  }
0x109: {  	s9 =	simm.s32 $0x62B0;
	s10 =	simm.s32 $0x62B0;
	s11 =	smov.u32 s0;
	v9 =	vld [tilespmem:s1+$0xFFFFFFF0];
	v17 =	vsel vm10, v17, v14;
	v14 =	vsel vm10, v16, v18;
	v15 =	vsel vm10, v18, v15;
	[tilespmem:s7+$0xFFFFFFF0] =	vst v19  }
.LBB2_25:
0x10a: {  	s12 =	sadd.s32 $0x4, s12  }
0x10b: {  	v16 =	vld [tilespmem:s20+$0xFFFFFFE0];
	s13 =	sand.u32 $0xFC0, s19;
	[tilespmem:s9+$0x0] =	vst v17;
	s10 =	sadd.s32 $0x40, s10;
	p3 =	slt.u32 s12, $0xFC  }
.Ltmp14:
0x10c: {  	v17 =	vperm.xlane v11, v6;
	v11 =	vld [tilespmem:s20+$0x20];
	[tilespmem:s9+$0xFFFFFFE0] =	vst v15;
	s9 =	smov.u32 s10;
	(pc) =	sbr.rel @p3 .LBB2_25-.Ltmp14, $4  }
0x10d: {  	v18 =	vperm.xlane v12, v6;
	v15 =	vperm.xlane v10, v6;
	v12 =	vld [tilespmem:s20+$0x10];
	[tilespmem:s11+$0x6280] =	vst v14;
	s11 =	smov.u32 s8;
	s8 =	smov.u32 s13  }
0x10e: {  	v21 =	vperm.xlane v13, v6;
	v10 =	vld [tilespmem:s20+$0x0];
	v19 =	vperm.xlane v9, v6  }
0x10f: {  	v17 =	vsel vm10, v18, v17;
	v9 =	vld [tilespmem:s20+$0xFFFFFFF0];
	v20 =	vsel vm10, v15, v18  }
0x110: {  	s19 =	sadd.s32 $0x40, s19;
	s20 =	sadd.s32 $0x40, s20;
	v14 =	vsel vm10, v21, v19;
	v15 =	vsel vm10, v19, v15;
	[tilespmem:s10+$0xFFFFFFF0] =	vst v20;
	v13 =	vmov v16  }
0x111: {  	v16 =	vmov v13  }
.LBB2_27:
0x112: {  	[tilespmem:s9+$0x0] =	vst @p2 v17;
	v12 =	vperm.xlane v12, v6;
	v11 =	vperm.xlane v11, v6  }
0x113: {  	s10 =	sadd.s32 @p2 $0x40, s10;
	[tilespmem:s9+$0xFFFFFFE0] =	vst @p2 v15;
	v10 =	vperm.xlane v10, v6  }
0x114: {  	[tilespmem:s11+$0x6280] =	vst @p2 v14;
	s7 =	smov.u32 @p2 s10;
	v9 =	vperm.xlane v9, v6;
	v11 =	vsel vm10, v12, v11  }
0x115: {  	v14 =	vperm.xlane v16, v6;
	v13 =	vsel vm10, v10, v12;
	[tilespmem:s7+$0x0] =	vst v11  }
0x116: {  	[tilespmem:s7+$0xFFFFFFF0] =	vst v13;
	v10 =	vsel vm10, v9, v10  }
0x117: {  	v9 =	vsel vm10, v14, v9;
	[tilespmem:s7+$0xFFFFFFE0] =	vst v10  }
0x118: {  	[tilespmem:s8+$0x6280] =	vst v9  }
.Ltmp15:
0x119: {  	v17 =	vld [tilespmem:s3+$0xFFFFFFE0];
	(pc) =	sbr.rel @!p1 .LBB2_28-.Ltmp15, $4  }
0x11a: {  	v11 =	vld [tilespmem:s3+$0x20]  }
0x11b: {  	v13 =	vld [tilespmem:s3+$0x10]  }
0x11c: {  	v10 =	vld [tilespmem:s3+$0x0]  }
0x11d: {  	s7 =	simm.s32 $0x72B0;
	v9 =	vld [tilespmem:s3+$0xFFFFFFF0]  }
0x11e: {  	_ = 	snop  }
0x11f: {  	p1 =	por $0x1, $0x1  }
.Ltmp16:
0x120: {  	v12 =	vld [tilespmem:s1+$0xFFFFFFE0];
	v14 =	vperm.xlane v11, v7;
	(pc) =	sbr.rel @!p1 .LBB2_30-.Ltmp16, $4  }
0x121: {  	v11 =	vld [tilespmem:s1+$0x20];
	v16 =	vperm.xlane v13, v7;
	v15 =	vperm.xlane v10, v7  }
0x122: {  	s3 =	sand.u32 $0xFC0, s6;
	v17 =	vperm.xlane v17, v7;
	v13 =	vld [tilespmem:s1+$0x10];
	v18 =	vperm.xlane v9, v7  }
0x123: {  	s8 =	simm.s32 $0x4;
	s9 =	simm.s32 $0x80;
	s10 =	simm.s32 $0x2A0;
	v10 =	vld [tilespmem:s1+$0x0];
	v19 =	vsel vm9, v15, v16  }
0x124: {  	p0 =	por $0x1, $0x1;
	s6 =	simm.s32 $0x72B0;
	v9 =	vld [tilespmem:s1+$0xFFFFFFF0];
	s1 =	simm.s32 $0x72B0;
	v16 =	vsel vm9, v16, v14;
	v14 =	vsel vm9, v17, v18;
	v15 =	vsel vm9, v18, v15;
	[tilespmem:s7+$0xFFFFFFF0] =	vst v19  }
.LBB2_31:
0x125: {  	s8 =	sadd.s32 $0x4, s8  }
0x126: {  	v17 =	vld [tilespmem:s10+$0xFFFFFFE0];
	s11 =	sand.u32 $0xFC0, s9;
	[tilespmem:s1+$0x0] =	vst v16;
	s6 =	sadd.s32 $0x40, s6;
	p1 =	slt.u32 s8, $0xFC  }
.Ltmp17:
0x127: {  	v16 =	vperm.xlane v11, v7;
	v11 =	vld [tilespmem:s10+$0x20];
	[tilespmem:s1+$0xFFFFFFE0] =	vst v15;
	s1 =	smov.u32 s6;
	(pc) =	sbr.rel @p1 .LBB2_31-.Ltmp17, $4  }
0x128: {  	v18 =	vperm.xlane v13, v7;
	v15 =	vperm.xlane v10, v7;
	v13 =	vld [tilespmem:s10+$0x10];
	[tilespmem:s0+$0x7280] =	vst v14;
	s0 =	smov.u32 s3;
	s3 =	smov.u32 s11  }
0x129: {  	v21 =	vperm.xlane v12, v7;
	v10 =	vld [tilespmem:s10+$0x0];
	v19 =	vperm.xlane v9, v7  }
0x12a: {  	v16 =	vsel vm9, v18, v16;
	v9 =	vld [tilespmem:s10+$0xFFFFFFF0];
	v20 =	vsel vm9, v15, v18  }
0x12b: {  	s9 =	sadd.s32 $0x40, s9;
	s10 =	sadd.s32 $0x40, s10;
	v14 =	vsel vm9, v21, v19;
	v15 =	vsel vm9, v19, v15;
	[tilespmem:s6+$0xFFFFFFF0] =	vst v20;
	v12 =	vmov v17  }
0x12c: {  	s8 =	smov.u32 s0;
	s0 =	smov.u32 s3;
	v17 =	vmov v12  }
.LBB2_33:
0x12d: {  	[tilespmem:s1+$0x0] =	vst @p0 v16;
	v12 =	vperm.xlane v13, v7;
	v11 =	vperm.xlane v11, v7  }
0x12e: {  	s3 =	sadd.s32 @p0 $0x40, s6;
	[tilespmem:s1+$0xFFFFFFE0] =	vst @p0 v15;
	v10 =	vperm.xlane v10, v7  }
0x12f: {  	[tilespmem:s8+$0x7280] =	vst @p0 v14;
	s7 =	smov.u32 @p0 s3;
	v9 =	vperm.xlane v9, v7;
	v11 =	vsel vm9, v12, v11  }
0x130: {  	v14 =	vperm.xlane v17, v7;
	v13 =	vsel vm9, v10, v12;
	[tilespmem:s7+$0x0] =	vst v11  }
0x131: {  	[tilespmem:s7+$0xFFFFFFF0] =	vst v13;
	v10 =	vsel vm9, v9, v10  }
0x132: {  	v9 =	vsel vm9, v14, v9;
	[tilespmem:s7+$0xFFFFFFE0] =	vst v10  }
0x133: {  	s31 =	simm.s32 $0x220;
	p1 =	por $0x1, $0x1;
	[tilespmem:s0+$0x7280] =	vst v9  }
.Ltmp18:
0x134: {  	v17 =	vld [tilespmem:s31+$0xFFFFFFE0];
	(pc) =	sbr.rel @!p1 .LBB2_34-.Ltmp18, $4  }
0x135: {  	v11 =	vld [tilespmem:s31+$0x20]  }
0x136: {  	s19 =	simm.s32 $0x0;
	v13 =	vld [tilespmem:s31+$0x10]  }
0x137: {  	s6 =	simm.s32 $0x260;
	s1 =	sand.u32 $0xFC0, s19;
	v10 =	vld [tilespmem:s31+$0x0]  }
0x138: {  	s3 =	simm.s32 $0x40;
	p0 =	por $0x0, $0x0;
	s0 =	simm.s32 $0x82B0;
	v9 =	vld [tilespmem:s31+$0xFFFFFFF0]  }
0x139: {  	_ = 	snop  }
0x13a: {  	p1 =	por $0x1, $0x1  }
.Ltmp19:
0x13b: {  	v12 =	vld [tilespmem:s6+$0xFFFFFFE0];
	v14 =	vperm.xlane v11, v8;
	(pc) =	sbr.rel @!p1 .LBB2_36-.Ltmp19, $4  }
0x13c: {  	v11 =	vld [tilespmem:s6+$0x20];
	v16 =	vperm.xlane v13, v8;
	v15 =	vperm.xlane v10, v8  }
0x13d: {  	s3 =	sand.u32 $0xFC0, s3;
	v17 =	vperm.xlane v17, v8;
	v13 =	vld [tilespmem:s6+$0x10];
	v18 =	vperm.xlane v9, v8  }
0x13e: {  	s8 =	simm.s32 $0x4;
	s9 =	simm.s32 $0x80;
	s10 =	simm.s32 $0x2A0;
	v10 =	vld [tilespmem:s6+$0x0];
	v19 =	vsel vm8, v15, v16  }
0x13f: {  	p0 =	por $0x1, $0x1;
	s7 =	simm.s32 $0x82B0;
	v9 =	vld [tilespmem:s6+$0xFFFFFFF0];
	s6 =	simm.s32 $0x82B0;
	v16 =	vsel vm8, v16, v14;
	v14 =	vsel vm8, v17, v18;
	v15 =	vsel vm8, v18, v15;
	[tilespmem:s0+$0xFFFFFFF0] =	vst v19  }
.LBB2_37:
0x140: {  	s8 =	sadd.s32 $0x4, s8  }
0x141: {  	v17 =	vld [tilespmem:s10+$0xFFFFFFE0];
	s11 =	sand.u32 $0xFC0, s9;
	[tilespmem:s6+$0x0] =	vst v16;
	s7 =	sadd.s32 $0x40, s7;
	p1 =	slt.u32 s8, $0xFC  }
.Ltmp20:
0x142: {  	v16 =	vperm.xlane v11, v8;
	v11 =	vld [tilespmem:s10+$0x20];
	[tilespmem:s6+$0xFFFFFFE0] =	vst v15;
	s6 =	smov.u32 s7;
	(pc) =	sbr.rel @p1 .LBB2_37-.Ltmp20, $4  }
0x143: {  	v18 =	vperm.xlane v13, v8;
	v15 =	vperm.xlane v10, v8;
	v13 =	vld [tilespmem:s10+$0x10];
	[tilespmem:s1+$0x8280] =	vst v14;
	s1 =	smov.u32 s3;
	s3 =	smov.u32 s11  }
0x144: {  	v21 =	vperm.xlane v12, v8;
	v10 =	vld [tilespmem:s10+$0x0];
	v19 =	vperm.xlane v9, v8  }
0x145: {  	v16 =	vsel vm8, v18, v16;
	v9 =	vld [tilespmem:s10+$0xFFFFFFF0];
	v20 =	vsel vm8, v15, v18  }
0x146: {  	s9 =	sadd.s32 $0x40, s9;
	s10 =	sadd.s32 $0x40, s10;
	v14 =	vsel vm8, v21, v19;
	v15 =	vsel vm8, v19, v15;
	[tilespmem:s7+$0xFFFFFFF0] =	vst v20;
	v12 =	vmov v17  }
0x147: {  	s8 =	smov.u32 s1;
	s1 =	smov.u32 s3;
	v17 =	vmov v12  }
.LBB2_39:
0x148: {  	[tilespmem:s6+$0x0] =	vst @p0 v16;
	v12 =	vperm.xlane v13, v8;
	v11 =	vperm.xlane v11, v8  }
0x149: {  	s3 =	sadd.s32 @p0 $0x40, s7;
	[tilespmem:s6+$0xFFFFFFE0] =	vst @p0 v15;
	v10 =	vperm.xlane v10, v8  }
0x14a: {  	[tilespmem:s8+$0x8280] =	vst @p0 v14;
	s0 =	smov.u32 @p0 s3;
	v9 =	vperm.xlane v9, v8;
	v11 =	vsel vm8, v12, v11  }
0x14b: {  	v63 =	vperm.xlane v17, v8;
	v13 =	vsel vm8, v10, v12;
	[tilespmem:s0+$0x0] =	vst v11  }
0x14c: {  	[tilespmem:s0+$0xFFFFFFF0] =	vst v13;
	v10 =	vsel vm8, v9, v10  }
0x14d: {  	v9 =	vsel vm8, v63, v9;
	[tilespmem:s0+$0xFFFFFFE0] =	vst v10  }
0x14e: {  	[tilespmem:s1+$0x8280] =	vst v9  }
0x14f: {  	s22 =	rddreg [dreg:$0xb]  }
0x150: {  	s23 =	rddreg [dreg:$0xa]  }
.Ltmp21:
0x151: {  	s24 =	rddreg [dreg:$0x9];
	(pc) =	sbr.rel .LBB2_40-.Ltmp21, $4  }
0x152: {  	s12 =	rddreg [dreg:$0x8]  }
0x153: {  	s26 =	rddreg [dreg:$0x7]  }
0x154: {  	s28 =	rddreg [dreg:$0x6]  }
0x155: {  	s20 =	smov.u32 s15;
	s21 =	smov.u32 s14;
	s29 =	rddreg [dreg:$0x5]  }
.LBB2_46:
0x156: {  	[tilespmem:s1+$0x180] =	vst v13  }
0x157: {  	v63 =	vld [tilespmem:s0+$0x1AD8];
	[tilespmem:s1+$0x190] =	vst v9  }
0x158: {  	[tilespmem:s1+$0x1A0] =	vst v10  }
0x159: {  	[tilespmem:s1+$0x1B0] =	vst v11  }
0x15a: {  	[tilespmem:s1+$0x1C0] =	vst v12  }
0x15b: {  	[tilespmem:s1+$0x1D0] =	vst v14  }
0x15c: {  	s0 =	simm.s32 $0x9280;
	[tilespmem:s1+$0x1E0] =	vst v63  }
.LBB2_47:
0x15d: {  	s1 =	sadd.s32 s4, s19;
	s19 =	sadd.s32 $0x1, s19  }
0x15e: {  	p0 =	sne.s32 s19, $0x80  }
.Ltmp22:
0x15f: {  	s29 =	sadd.s32 $0xFFFFFFF8, s29;
	s28 =	sadd.s32 $0xFFFFFFF8, s28;
	(pc) =	sbr.rel @!p0 .LBB2_48-.Ltmp22, $4  }
0x160: {  	s26 =	sadd.s32 $0xFFFFFFF8, s26;
	s12 =	sadd.s32 $0xFFFFFFE0, s12;
	s24 =	sadd.s32 $0xFFFFFFF8, s24  }
0x161: {  	s23 =	sadd.s32 $0xFFFFFFF8, s23;
	s22 =	sadd.s32 $0xFFFFFFF8, s22;
	s1 =	sshll.u32 s1, $0xB  }
0x162: {  	s21 =	sadd.s32 $0xFFFFFFF8, s21;
	s20 =	sadd.s32 $0xFFFFFFF8, s20;
	s1 =	sadd.s32 s1, s5  }
0x163: {  	[hbm4b:s1+s2] =	stream.linear.scatter [tilespmem:s0], [sflag:$0x1], $0x4000, $0x38;
	[tilespmem:$0x11280] =	vst v63  }
.LBB2_40:
0x164: {  	s1 =	sand.u32 $0x1, s19  }
0x165: {  	p1 =	seq.s32 s1, $0x1  }
.Ltmp23:
0x166: {  	p0 =	slt.u32 s19, $0x2;
	(pc) =	sbr.rel @!p1 .LBB2_44-.Ltmp23, $4  }
0x167: {  	s10 =	sshll.u32 s29, $0x2;
	s25 =	sshll.u32 s28, $0x2;
	s0 =	simm.s32 @!p0 $0x1  }
0x168: {  	s9 =	sshll.u32 s26, $0x2;
	s8 =	sshll.u32 s24, $0x2;
	_ =	swait.ge @!p0 [sflag:s0], $0x4000  }
0x169: {  	s7 =	sshll.u32 s23, $0x2;
	s30 =	sshll.u32 s22, $0x2;
	[sflag:s0] =	ssyncset.done @!p0 $0x0  }
0x16a: {  	s13 =	sshll.u32 s21, $0x2;
	s11 =	sshll.u32 s20, $0x2;
	[sflag:s0] =	ssyncadd.s32 @!p0 $0xFFFFC000  }
0x16b: {  	s0 =	sand.u32 $0xFFFFFFC0, s9;
	s9 =	sshra.s32 s12, $0x2  }
0x16c: {  	v10 =	vld [tilespmem:s9+$0x8AE8]  }
0x16d: {  	s11 =	sand.u32 $0xFFFFFFC0, s11;
	v11 =	vld [tilespmem:s9+$0x8A88]  }
0x16e: {  	s3 =	sand.u32 $0xFFFFFFC0, s8;
	s8 =	sand.u32 $0xFFFFFFC0, s13;
	s13 =	sshra.s32 s11, $0x2;
	v12 =	vld [tilespmem:s9+$0x8A98]  }
0x16f: {  	v9 =	vld [tilespmem:s13+$0x1280]  }
0x170: {  	s6 =	sand.u32 $0xFFFFFFC0, s7;
	s7 =	sand.u32 $0xFFFFFFC0, s30;
	s30 =	simm.s32 $0xD480;
	v13 =	vld [tilespmem:s9+$0x8AA8]  }
0x171: {  	v14 =	vld [tilespmem:s9+$0x8AB8];
	[tilespmem:s30+$0xFFFFFE70] =	vst v10  }
0x172: {  	v15 =	vld [tilespmem:s9+$0x8AC8];
	[tilespmem:s30+$0xFFFFFE10] =	vst v11  }
0x173: {  	v10 =	vld [tilespmem:s9+$0x8AD8];
	[tilespmem:s30+$0xFFFFFE20] =	vst v12  }
0x174: {  	[tilespmem:s30+$0xFFFFFE00] =	vst v9;
	v9 =	vld [tilespmem:s9+$0x7AE8]  }
0x175: {  	[tilespmem:s30+$0xFFFFFE30] =	vst v13;
	v12 =	vld [tilespmem:s9+$0x7A88]  }
0x176: {  	s1 =	sand.u32 $0xFFFFFFC0, s25;
	s25 =	sshra.s32 s8, $0x2;
	[tilespmem:s30+$0xFFFFFE40] =	vst v14;
	v13 =	vld [tilespmem:s9+$0x7A98]  }
0x177: {  	[tilespmem:s30+$0xFFFFFE50] =	vst v15;
	v11 =	vld [tilespmem:s25+$0x1280]  }
0x178: {  	v14 =	vld [tilespmem:s9+$0x7AA8];
	[tilespmem:s30+$0xFFFFFE60] =	vst v10  }
0x179: {  	v15 =	vld [tilespmem:s9+$0x7AB8];
	[tilespmem:s30+$0xFFFFFEF0] =	vst v9  }
0x17a: {  	v10 =	vld [tilespmem:s9+$0x7AC8];
	[tilespmem:s30+$0xFFFFFE90] =	vst v12  }
0x17b: {  	[tilespmem:s30+$0xFFFFFEA0] =	vst v13;
	v9 =	vld [tilespmem:s9+$0x6AE8]  }
0x17c: {  	[tilespmem:s30+$0xFFFFFE80] =	vst v11;
	v11 =	vld [tilespmem:s9+$0x7AD8]  }
0x17d: {  	[tilespmem:s30+$0xFFFFFEB0] =	vst v14;
	v13 =	vld [tilespmem:s9+$0x6A88]  }
0x17e: {  	s13 =	sshra.s32 s7, $0x2;
	[tilespmem:s30+$0xFFFFFEC0] =	vst v15;
	v14 =	vld [tilespmem:s9+$0x6A98]  }
0x17f: {  	v12 =	vld [tilespmem:s13+$0x1280];
	[tilespmem:s30+$0xFFFFFED0] =	vst v10  }
0x180: {  	v15 =	vld [tilespmem:s9+$0x6AA8];
	[tilespmem:s30+$0xFFFFFF70] =	vst v9  }
0x181: {  	v10 =	vld [tilespmem:s9+$0x6AB8];
	[tilespmem:s30+$0xFFFFFEE0] =	vst v11  }
0x182: {  	[tilespmem:s30+$0xFFFFFF10] =	vst v13;
	v9 =	vld [tilespmem:s9+$0x5AE8]  }
0x183: {  	v11 =	vld [tilespmem:s9+$0x6AC8];
	[tilespmem:s30+$0xFFFFFF20] =	vst v14  }
0x184: {  	[tilespmem:s30+$0xFFFFFF00] =	vst v12;
	v12 =	vld [tilespmem:s9+$0x6AD8]  }
0x185: {  	[tilespmem:s30+$0xFFFFFF30] =	vst v15;
	v14 =	vld [tilespmem:s9+$0x5A88]  }
0x186: {  	s25 =	sshra.s32 s6, $0x2;
	v15 =	vld [tilespmem:s9+$0x5A98];
	[tilespmem:s30+$0xFFFFFF40] =	vst v10  }
0x187: {  	v13 =	vld [tilespmem:s25+$0x1280];
	[tilespmem:s30+$0xFFFFFFF0] =	vst v9  }
0x188: {  	[tilespmem:s30+$0xFFFFFF50] =	vst v11;
	v9 =	vld [tilespmem:s9+$0x4AE8]  }
0x189: {  	v10 =	vld [tilespmem:s9+$0x5AA8];
	[tilespmem:s30+$0xFFFFFF60] =	vst v12  }
0x18a: {  	v11 =	vld [tilespmem:s9+$0x5AB8];
	[tilespmem:s30+$0xFFFFFF90] =	vst v14  }
0x18b: {  	v12 =	vld [tilespmem:s9+$0x5AC8];
	[tilespmem:s30+$0xFFFFFFA0] =	vst v15  }
0x18c: {  	[tilespmem:s30+$0xFFFFFF80] =	vst v13;
	v13 =	vld [tilespmem:s9+$0x5AD8]  }
0x18d: {  	v15 =	vld [tilespmem:s9+$0x4A88];
	[tilespmem:s30+$0x70] =	vst v9  }
0x18e: {  	s13 =	sshra.s32 s3, $0x2;
	v9 =	vld [tilespmem:s9+$0x3AE8]  }
0x18f: {  	v14 =	vld [tilespmem:s13+$0x1280];
	[tilespmem:s30+$0xFFFFFFB0] =	vst v10  }
0x190: {  	v10 =	vld [tilespmem:s9+$0x4A98];
	[tilespmem:s30+$0xFFFFFFC0] =	vst v11  }
0x191: {  	v11 =	vld [tilespmem:s9+$0x4AA8];
	[tilespmem:s30+$0xFFFFFFD0] =	vst v12  }
0x192: {  	v12 =	vld [tilespmem:s9+$0x4AB8];
	[tilespmem:s30+$0xFFFFFFE0] =	vst v13  }
0x193: {  	v13 =	vld [tilespmem:s9+$0x4AC8];
	[tilespmem:s30+$0xF0] =	vst v9  }
0x194: {  	[tilespmem:s30+$0x10] =	vst v15;
	v9 =	vld [tilespmem:s9+$0x2AE8]  }
0x195: {  	[tilespmem:s30+$0x0] =	vst v14;
	v14 =	vld [tilespmem:s9+$0x4AD8]  }
0x196: {  	s25 =	sshra.s32 s0, $0x2;
	[tilespmem:s30+$0x20] =	vst v10;
	v10 =	vld [tilespmem:s9+$0x3A88]  }
0x197: {  	v15 =	vld [tilespmem:s25+$0x1280];
	[tilespmem:s30+$0x30] =	vst v11  }
0x198: {  	v11 =	vld [tilespmem:s9+$0x3A98];
	[tilespmem:s30+$0x40] =	vst v12  }
0x199: {  	v12 =	vld [tilespmem:s9+$0x3AA8];
	[tilespmem:s30+$0x170] =	vst v9  }
0x19a: {  	[tilespmem:s30+$0x50] =	vst v13;
	v9 =	vld [tilespmem:s9+$0x1AE8]  }
0x19b: {  	v13 =	vld [tilespmem:s9+$0x3AB8];
	[tilespmem:s30+$0x60] =	vst v14  }
0x19c: {  	v14 =	vld [tilespmem:s9+$0x3AC8];
	[tilespmem:s30+$0x90] =	vst v10  }
0x19d: {  	s13 =	sshra.s32 s1, $0x2;
	[tilespmem:s30+$0x80] =	vst v15;
	v10 =	vld [tilespmem:s9+$0x2A88]  }
0x19e: {  	v15 =	vld [tilespmem:s13+$0x1280];
	[tilespmem:s30+$0xA0] =	vst v11  }
0x19f: {  	[tilespmem:s30+$0x1F0] =	vst v9;
	v9 =	vld [tilespmem:s9+$0x3AD8]  }
0x1a0: {  	v11 =	vld [tilespmem:s9+$0x2A98];
	[tilespmem:s30+$0xB0] =	vst v12  }
0x1a1: {  	v12 =	vld [tilespmem:s9+$0x2AA8];
	[tilespmem:s30+$0xC0] =	vst v13  }
0x1a2: {  	s31 =	sand.u32 $0xFFFFFFC0, s10;
	v16 =	vld [tilespmem:s9+$0x2AB8];
	[tilespmem:s30+$0xD0] =	vst v14  }
0x1a3: {  	s25 =	sshra.s32 s31, $0x2;
	v14 =	vld [tilespmem:s9+$0x2AC8];
	[tilespmem:s30+$0x100] =	vst v15  }
0x1a4: {  	v13 =	vld [tilespmem:s25+$0x1280];
	[tilespmem:s30+$0xE0] =	vst v9  }
0x1a5: {  	[tilespmem:s30+$0x120] =	vst v11;
	v15 =	vld [tilespmem:s9+$0x2AD8]  }
0x1a6: {  	[tilespmem:s30+$0x110] =	vst v10;
	v10 =	vld [tilespmem:s9+$0x1A98]  }
0x1a7: {  	[tilespmem:s30+$0x130] =	vst v12;
	v9 =	vld [tilespmem:s9+$0x1A88]  }
0x1a8: {  	v11 =	vld [tilespmem:s9+$0x1AA8];
	[tilespmem:s30+$0x140] =	vst v16  }
0x1a9: {  	v12 =	vld [tilespmem:s9+$0x1AB8];
	[tilespmem:s30+$0x150] =	vst v14  }
0x1aa: {  	s10 =	simm.s32 $0x0;
	s11 =	sadd.s32 $0x200, s11;
	s25 =	smov.u32 s12;
	v14 =	vld [tilespmem:s9+$0x1AC8];
	[tilespmem:s30+$0x160] =	vst v15  }
.LBB2_42:
0x1ab: {  	s13 =	sshra.s32 s11, $0x2;
	[tilespmem:s30+$0x180] =	vst v13;
	v13 =	vld [tilespmem:s9+$0x1AD8];
	s25 =	sadd.s32 $0x200, s25  }
0x1ac: {  	s10 =	sadd.s32 $0x8, s10;
	v15 =	vld [tilespmem:s13+$0x1280];
	s9 =	sshra.s32 s25, $0x2;
	[tilespmem:s30+$0x190] =	vst v9  }
0x1ad: {  	p0 =	slt.u32 s10, $0x78;
	v9 =	vld [tilespmem:s9+$0x8AE8];
	[tilespmem:s30+$0x1A0] =	vst v10  }
0x1ae: {  	v10 =	vld [tilespmem:s9+$0x8A88];
	[tilespmem:s30+$0x1B0] =	vst v11  }
0x1af: {  	v11 =	vld [tilespmem:s9+$0x8A98];
	[tilespmem:s30+$0x1C0] =	vst v12  }
0x1b0: {  	v12 =	vld [tilespmem:s9+$0x8AA8];
	[tilespmem:s30+$0x1D0] =	vst v14  }
0x1b1: {  	v14 =	vld [tilespmem:s9+$0x8AB8];
	[tilespmem:s30+$0x1E0] =	vst v13;
	s30 =	sadd.s32 $0x400, s30  }
0x1b2: {  	v13 =	vld [tilespmem:s9+$0x8AC8];
	[tilespmem:s30+$0xFFFFFE70] =	vst v9  }
0x1b3: {  	s8 =	sadd.s32 $0x200, s8;
	[tilespmem:s30+$0xFFFFFE00] =	vst v15;
	v9 =	vld [tilespmem:s9+$0x7AE8]  }
0x1b4: {  	s13 =	sshra.s32 s8, $0x2;
	[tilespmem:s30+$0xFFFFFE10] =	vst v10;
	v10 =	vld [tilespmem:s9+$0x8AD8]  }
0x1b5: {  	v15 =	vld [tilespmem:s13+$0x1280];
	[tilespmem:s30+$0xFFFFFE20] =	vst v11  }
0x1b6: {  	v11 =	vld [tilespmem:s9+$0x7A88];
	[tilespmem:s30+$0xFFFFFE30] =	vst v12  }
0x1b7: {  	v12 =	vld [tilespmem:s9+$0x7A98];
	[tilespmem:s30+$0xFFFFFE40] =	vst v14  }
0x1b8: {  	v14 =	vld [tilespmem:s9+$0x7AA8];
	[tilespmem:s30+$0xFFFFFEF0] =	vst v9  }
0x1b9: {  	[tilespmem:s30+$0xFFFFFE50] =	vst v13;
	v9 =	vld [tilespmem:s9+$0x6AE8]  }
0x1ba: {  	v13 =	vld [tilespmem:s9+$0x7AB8];
	[tilespmem:s30+$0xFFFFFE60] =	vst v10  }
0x1bb: {  	s7 =	sadd.s32 $0x200, s7;
	[tilespmem:s30+$0xFFFFFE80] =	vst v15;
	v10 =	vld [tilespmem:s9+$0x7AC8]  }
0x1bc: {  	s13 =	sshra.s32 s7, $0x2;
	[tilespmem:s30+$0xFFFFFE90] =	vst v11;
	v11 =	vld [tilespmem:s9+$0x7AD8]  }
0x1bd: {  	v15 =	vld [tilespmem:s13+$0x1280];
	[tilespmem:s30+$0xFFFFFEA0] =	vst v12  }
0x1be: {  	v12 =	vld [tilespmem:s9+$0x6A88];
	[tilespmem:s30+$0xFFFFFF70] =	vst v9  }
0x1bf: {  	[tilespmem:s30+$0xFFFFFEB0] =	vst v14;
	v9 =	vld [tilespmem:s9+$0x5AE8]  }
0x1c0: {  	v14 =	vld [tilespmem:s9+$0x6A98];
	[tilespmem:s30+$0xFFFFFEC0] =	vst v13  }
0x1c1: {  	v13 =	vld [tilespmem:s9+$0x6AA8];
	[tilespmem:s30+$0xFFFFFED0] =	vst v10  }
0x1c2: {  	v10 =	vld [tilespmem:s9+$0x6AB8];
	[tilespmem:s30+$0xFFFFFEE0] =	vst v11  }
0x1c3: {  	[tilespmem:s30+$0xFFFFFF00] =	vst v15;
	v11 =	vld [tilespmem:s9+$0x6AC8]  }
0x1c4: {  	s6 =	sadd.s32 $0x200, s6;
	v15 =	vld [tilespmem:s9+$0x6AD8];
	[tilespmem:s30+$0xFFFFFFF0] =	vst v9  }
0x1c5: {  	s13 =	sshra.s32 s6, $0x2;
	[tilespmem:s30+$0xFFFFFF10] =	vst v12;
	v9 =	vld [tilespmem:s9+$0x4AE8]  }
0x1c6: {  	v12 =	vld [tilespmem:s13+$0x1280];
	[tilespmem:s30+$0xFFFFFF20] =	vst v14  }
0x1c7: {  	v14 =	vld [tilespmem:s9+$0x5A88];
	[tilespmem:s30+$0xFFFFFF30] =	vst v13  }
0x1c8: {  	v13 =	vld [tilespmem:s9+$0x5A98];
	[tilespmem:s30+$0xFFFFFF40] =	vst v10  }
0x1c9: {  	v10 =	vld [tilespmem:s9+$0x5AA8];
	[tilespmem:s30+$0xFFFFFF50] =	vst v11  }
0x1ca: {  	v11 =	vld [tilespmem:s9+$0x5AB8];
	[tilespmem:s30+$0x70] =	vst v9  }
0x1cb: {  	[tilespmem:s30+$0xFFFFFF60] =	vst v15;
	v9 =	vld [tilespmem:s9+$0x3AE8]  }
0x1cc: {  	s3 =	sadd.s32 $0x200, s3;
	[tilespmem:s30+$0xFFFFFF80] =	vst v12;
	v12 =	vld [tilespmem:s9+$0x5AC8]  }
0x1cd: {  	s13 =	sshra.s32 s3, $0x2;
	[tilespmem:s30+$0xFFFFFF90] =	vst v14;
	v14 =	vld [tilespmem:s9+$0x5AD8]  }
0x1ce: {  	v15 =	vld [tilespmem:s13+$0x1280];
	[tilespmem:s30+$0xFFFFFFA0] =	vst v13  }
0x1cf: {  	v13 =	vld [tilespmem:s9+$0x4A88];
	[tilespmem:s30+$0xFFFFFFB0] =	vst v10  }
0x1d0: {  	v10 =	vld [tilespmem:s9+$0x4A98];
	[tilespmem:s30+$0xF0] =	vst v9  }
0x1d1: {  	[tilespmem:s30+$0xFFFFFFC0] =	vst v11;
	v9 =	vld [tilespmem:s9+$0x2AE8]  }
0x1d2: {  	v11 =	vld [tilespmem:s9+$0x4AA8];
	[tilespmem:s30+$0xFFFFFFD0] =	vst v12  }
0x1d3: {  	v12 =	vld [tilespmem:s9+$0x4AB8];
	[tilespmem:s30+$0xFFFFFFE0] =	vst v14  }
0x1d4: {  	s0 =	sadd.s32 $0x200, s0;
	[tilespmem:s30+$0x0] =	vst v15;
	v14 =	vld [tilespmem:s9+$0x4AC8]  }
0x1d5: {  	s13 =	sshra.s32 s0, $0x2;
	[tilespmem:s30+$0x10] =	vst v13;
	v13 =	vld [tilespmem:s9+$0x4AD8]  }
0x1d6: {  	v15 =	vld [tilespmem:s13+$0x1280];
	[tilespmem:s30+$0x170] =	vst v9  }
0x1d7: {  	[tilespmem:s30+$0x20] =	vst v10;
	v9 =	vld [tilespmem:s9+$0x1AE8]  }
0x1d8: {  	v10 =	vld [tilespmem:s9+$0x3A88];
	[tilespmem:s30+$0x30] =	vst v11  }
0x1d9: {  	v11 =	vld [tilespmem:s9+$0x3A98];
	[tilespmem:s30+$0x40] =	vst v12  }
0x1da: {  	v12 =	vld [tilespmem:s9+$0x3AA8];
	[tilespmem:s30+$0x50] =	vst v14  }
0x1db: {  	v14 =	vld [tilespmem:s9+$0x3AB8];
	[tilespmem:s30+$0x60] =	vst v13  }
0x1dc: {  	s1 =	sadd.s32 $0x200, s1;
	v13 =	vld [tilespmem:s9+$0x3AC8];
	[tilespmem:s30+$0x1F0] =	vst v9  }
0x1dd: {  	s13 =	sshra.s32 s1, $0x2;
	[tilespmem:s30+$0x80] =	vst v15;
	v9 =	vld [tilespmem:s9+$0x3AD8]  }
0x1de: {  	v15 =	vld [tilespmem:s13+$0x1280];
	[tilespmem:s30+$0x90] =	vst v10  }
0x1df: {  	v10 =	vld [tilespmem:s9+$0x2A88];
	[tilespmem:s30+$0xA0] =	vst v11  }
0x1e0: {  	v11 =	vld [tilespmem:s9+$0x2A98];
	[tilespmem:s30+$0xB0] =	vst v12  }
0x1e1: {  	v12 =	vld [tilespmem:s9+$0x2AA8];
	[tilespmem:s30+$0xC0] =	vst v14  }
0x1e2: {  	v14 =	vld [tilespmem:s9+$0x2AB8];
	[tilespmem:s30+$0xD0] =	vst v13  }
0x1e3: {  	s31 =	sadd.s32 $0x200, s31;
	v16 =	vld [tilespmem:s9+$0x2AC8];
	[tilespmem:s30+$0xE0] =	vst v9  }
0x1e4: {  	s13 =	sshra.s32 s31, $0x2;
	[tilespmem:s30+$0x100] =	vst v15;
	v15 =	vld [tilespmem:s9+$0x2AD8]  }
0x1e5: {  	v13 =	vld [tilespmem:s13+$0x1280];
	[tilespmem:s30+$0x110] =	vst v10  }
.Ltmp24:
0x1e6: {  	v9 =	vld [tilespmem:s9+$0x1A88];
	[tilespmem:s30+$0x120] =	vst v11;
	(pc) =	sbr.rel @p0 .LBB2_42-.Ltmp24, $4  }
0x1e7: {  	v10 =	vld [tilespmem:s9+$0x1A98];
	[tilespmem:s30+$0x130] =	vst v12  }
0x1e8: {  	v11 =	vld [tilespmem:s9+$0x1AA8];
	[tilespmem:s30+$0x140] =	vst v14  }
0x1e9: {  	v12 =	vld [tilespmem:s9+$0x1AB8];
	[tilespmem:s30+$0x150] =	vst v16  }
0x1ea: {  	s11 =	sadd.s32 $0x200, s11;
	v14 =	vld [tilespmem:s9+$0x1AC8];
	[tilespmem:s30+$0x160] =	vst v15  }
0x1eb: {  	[tilespmem:s30+$0x180] =	vst v13  }
0x1ec: {  	v63 =	vld [tilespmem:s9+$0x1AD8];
	[tilespmem:s30+$0x190] =	vst v9  }
.Ltmp25:
0x1ed: {  	[tilespmem:s30+$0x1A0] =	vst v10;
	(pc) =	sbr.rel .LBB2_47-.Ltmp25, $4  }
0x1ee: {  	[tilespmem:s30+$0x1B0] =	vst v11  }
0x1ef: {  	[tilespmem:s30+$0x1C0] =	vst v12  }
0x1f0: {  	[tilespmem:s30+$0x1D0] =	vst v14  }
0x1f1: {  	s0 =	simm.s32 $0xD280;
	[tilespmem:s30+$0x1E0] =	vst v63  }
.LBB2_44:
0x1f2: {  	s11 =	sand.u32 $0xFFFFFFE0, s11  }
0x1f3: {  	s0 =	sshra.s32 s11, $0x2  }
0x1f4: {  	v9 =	vld [tilespmem:s0+$0x1280];
	s0 =	sshra.s32 s12, $0x2  }
0x1f5: {  	v10 =	vld [tilespmem:s0+$0x8AE8]  }
0x1f6: {  	v11 =	vld [tilespmem:s0+$0x8A88]  }
0x1f7: {  	v12 =	vld [tilespmem:s0+$0x8A98]  }
0x1f8: {  	v13 =	vld [tilespmem:s0+$0x8AA8]  }
0x1f9: {  	s1 =	simm.s32 $0x9480;
	v14 =	vld [tilespmem:s0+$0x8AB8]  }
0x1fa: {  	s3 =	sand.u32 $0xFFFFFFE0, s13;
	v15 =	vld [tilespmem:s0+$0x8AC8];
	[tilespmem:s1+$0xFFFFFE00] =	vst v9  }
0x1fb: {  	s6 =	sshra.s32 s3, $0x2;
	[tilespmem:s1+$0xFFFFFE70] =	vst v10;
	v10 =	vld [tilespmem:s0+$0x8AD8]  }
0x1fc: {  	[tilespmem:s1+$0xFFFFFE10] =	vst v11;
	v11 =	vld [tilespmem:s6+$0x1280]  }
0x1fd: {  	[tilespmem:s1+$0xFFFFFE20] =	vst v12;
	v9 =	vld [tilespmem:s0+$0x7AE8]  }
0x1fe: {  	[tilespmem:s1+$0xFFFFFE30] =	vst v13;
	v12 =	vld [tilespmem:s0+$0x7A88]  }
0x1ff: {  	[tilespmem:s1+$0xFFFFFE40] =	vst v14;
	v13 =	vld [tilespmem:s0+$0x7A98]  }
0x200: {  	[tilespmem:s1+$0xFFFFFE50] =	vst v15;
	v14 =	vld [tilespmem:s0+$0x7AA8]  }
0x201: {  	v15 =	vld [tilespmem:s0+$0x7AB8];
	[tilespmem:s1+$0xFFFFFE60] =	vst v10  }
0x202: {  	[tilespmem:s1+$0xFFFFFE80] =	vst v11;
	v10 =	vld [tilespmem:s0+$0x7AC8]  }
0x203: {  	s6 =	sand.u32 $0xFFFFFFE0, s30;
	[tilespmem:s1+$0xFFFFFEF0] =	vst v9;
	v11 =	vld [tilespmem:s0+$0x7AD8]  }
0x204: {  	s13 =	sshra.s32 s6, $0x2;
	[tilespmem:s1+$0xFFFFFE90] =	vst v12;
	v9 =	vld [tilespmem:s0+$0x6AE8]  }
0x205: {  	v12 =	vld [tilespmem:s13+$0x1280];
	[tilespmem:s1+$0xFFFFFEA0] =	vst v13  }
0x206: {  	[tilespmem:s1+$0xFFFFFEB0] =	vst v14;
	v13 =	vld [tilespmem:s0+$0x6A88]  }
0x207: {  	[tilespmem:s1+$0xFFFFFEC0] =	vst v15;
	v14 =	vld [tilespmem:s0+$0x6A98]  }
0x208: {  	v15 =	vld [tilespmem:s0+$0x6AA8];
	[tilespmem:s1+$0xFFFFFED0] =	vst v10  }
0x209: {  	v10 =	vld [tilespmem:s0+$0x6AB8];
	[tilespmem:s1+$0xFFFFFF70] =	vst v9  }
0x20a: {  	[tilespmem:s1+$0xFFFFFEE0] =	vst v11;
	v9 =	vld [tilespmem:s0+$0x5AE8]  }
0x20b: {  	s7 =	sand.u32 $0xFFFFFFE0, s7;
	[tilespmem:s1+$0xFFFFFF00] =	vst v12;
	v11 =	vld [tilespmem:s0+$0x6AC8]  }
0x20c: {  	s13 =	sshra.s32 s7, $0x2;
	v12 =	vld [tilespmem:s0+$0x6AD8];
	[tilespmem:s1+$0xFFFFFF10] =	vst v13  }
0x20d: {  	v13 =	vld [tilespmem:s13+$0x1280];
	[tilespmem:s1+$0xFFFFFF20] =	vst v14  }
0x20e: {  	[tilespmem:s1+$0xFFFFFF30] =	vst v15;
	v14 =	vld [tilespmem:s0+$0x5A88]  }
0x20f: {  	v15 =	vld [tilespmem:s0+$0x5A98];
	[tilespmem:s1+$0xFFFFFFF0] =	vst v9  }
0x210: {  	[tilespmem:s1+$0xFFFFFF40] =	vst v10;
	v9 =	vld [tilespmem:s0+$0x4AE8]  }
0x211: {  	v10 =	vld [tilespmem:s0+$0x5AA8];
	[tilespmem:s1+$0xFFFFFF50] =	vst v11  }
0x212: {  	v11 =	vld [tilespmem:s0+$0x5AB8];
	[tilespmem:s1+$0xFFFFFF60] =	vst v12  }
0x213: {  	s8 =	sand.u32 $0xFFFFFFE0, s8;
	[tilespmem:s1+$0xFFFFFF80] =	vst v13;
	v12 =	vld [tilespmem:s0+$0x5AC8]  }
0x214: {  	s13 =	sshra.s32 s8, $0x2;
	[tilespmem:s1+$0xFFFFFF90] =	vst v14;
	v13 =	vld [tilespmem:s0+$0x5AD8]  }
0x215: {  	v14 =	vld [tilespmem:s13+$0x1280];
	[tilespmem:s1+$0x70] =	vst v9  }
0x216: {  	[tilespmem:s1+$0xFFFFFFA0] =	vst v15;
	v9 =	vld [tilespmem:s0+$0x3AE8]  }
0x217: {  	v15 =	vld [tilespmem:s0+$0x4A88];
	[tilespmem:s1+$0xFFFFFFB0] =	vst v10  }
0x218: {  	v10 =	vld [tilespmem:s0+$0x4A98];
	[tilespmem:s1+$0xFFFFFFC0] =	vst v11  }
0x219: {  	v11 =	vld [tilespmem:s0+$0x4AA8];
	[tilespmem:s1+$0xFFFFFFD0] =	vst v12  }
0x21a: {  	v12 =	vld [tilespmem:s0+$0x4AB8];
	[tilespmem:s1+$0xFFFFFFE0] =	vst v13  }
0x21b: {  	v13 =	vld [tilespmem:s0+$0x4AC8];
	[tilespmem:s1+$0xF0] =	vst v9  }
0x21c: {  	s9 =	sand.u32 $0xFFFFFFE0, s9;
	[tilespmem:s1+$0x0] =	vst v14;
	v9 =	vld [tilespmem:s0+$0x2AE8]  }
0x21d: {  	s13 =	sshra.s32 s9, $0x2;
	[tilespmem:s1+$0x10] =	vst v15;
	v14 =	vld [tilespmem:s0+$0x4AD8]  }
0x21e: {  	v15 =	vld [tilespmem:s13+$0x1280];
	[tilespmem:s1+$0x20] =	vst v10  }
0x21f: {  	v10 =	vld [tilespmem:s0+$0x3A88];
	[tilespmem:s1+$0x30] =	vst v11  }
0x220: {  	v11 =	vld [tilespmem:s0+$0x3A98];
	[tilespmem:s1+$0x40] =	vst v12  }
0x221: {  	v12 =	vld [tilespmem:s0+$0x3AA8];
	[tilespmem:s1+$0x170] =	vst v9  }
0x222: {  	[tilespmem:s1+$0x50] =	vst v13;
	v9 =	vld [tilespmem:s0+$0x1AE8]  }
0x223: {  	s30 =	sand.u32 $0xFFFFFFE0, s25;
	v13 =	vld [tilespmem:s0+$0x3AB8];
	[tilespmem:s1+$0x60] =	vst v14  }
0x224: {  	s25 =	sshra.s32 s30, $0x2;
	v14 =	vld [tilespmem:s0+$0x3AC8];
	[tilespmem:s1+$0x80] =	vst v15  }
0x225: {  	v15 =	vld [tilespmem:s25+$0x1280];
	[tilespmem:s1+$0x90] =	vst v10  }
0x226: {  	v10 =	vld [tilespmem:s0+$0x2A88];
	[tilespmem:s1+$0xA0] =	vst v11  }
0x227: {  	[tilespmem:s1+$0x1F0] =	vst v9;
	v9 =	vld [tilespmem:s0+$0x3AD8]  }
0x228: {  	v11 =	vld [tilespmem:s0+$0x2A98];
	[tilespmem:s1+$0xB0] =	vst v12  }
0x229: {  	v12 =	vld [tilespmem:s0+$0x2AA8];
	[tilespmem:s1+$0xC0] =	vst v13  }
0x22a: {  	s31 =	sand.u32 $0xFFFFFFE0, s10;
	v16 =	vld [tilespmem:s0+$0x2AB8];
	[tilespmem:s1+$0xD0] =	vst v14  }
0x22b: {  	s10 =	sshra.s32 s31, $0x2;
	v14 =	vld [tilespmem:s0+$0x2AC8];
	[tilespmem:s1+$0x100] =	vst v15  }
0x22c: {  	v13 =	vld [tilespmem:s10+$0x1280];
	[tilespmem:s1+$0xE0] =	vst v9  }
0x22d: {  	[tilespmem:s1+$0x120] =	vst v11;
	v15 =	vld [tilespmem:s0+$0x2AD8]  }
0x22e: {  	[tilespmem:s1+$0x110] =	vst v10;
	v10 =	vld [tilespmem:s0+$0x1A98]  }
0x22f: {  	[tilespmem:s1+$0x130] =	vst v12;
	v9 =	vld [tilespmem:s0+$0x1A88]  }
0x230: {  	v11 =	vld [tilespmem:s0+$0x1AA8];
	[tilespmem:s1+$0x140] =	vst v16  }
0x231: {  	v12 =	vld [tilespmem:s0+$0x1AB8];
	[tilespmem:s1+$0x150] =	vst v14  }
0x232: {  	s11 =	sadd.s32 $0x200, s11;
	s25 =	smov.u32 s12;
	s10 =	simm.s32 $0x0;
	v14 =	vld [tilespmem:s0+$0x1AC8];
	[tilespmem:s1+$0x160] =	vst v15  }
.LBB2_45:
0x233: {  	s13 =	sshra.s32 s11, $0x2;
	[tilespmem:s1+$0x180] =	vst v13;
	v13 =	vld [tilespmem:s0+$0x1AD8];
	s25 =	sadd.s32 $0x200, s25  }
0x234: {  	s10 =	sadd.s32 $0x8, s10;
	v15 =	vld [tilespmem:s13+$0x1280];
	s0 =	sshra.s32 s25, $0x2;
	[tilespmem:s1+$0x190] =	vst v9  }
0x235: {  	p0 =	slt.u32 s10, $0x78;
	v9 =	vld [tilespmem:s0+$0x8AE8];
	[tilespmem:s1+$0x1A0] =	vst v10  }
0x236: {  	v10 =	vld [tilespmem:s0+$0x8A88];
	[tilespmem:s1+$0x1B0] =	vst v11  }
0x237: {  	v11 =	vld [tilespmem:s0+$0x8A98];
	[tilespmem:s1+$0x1C0] =	vst v12  }
0x238: {  	v12 =	vld [tilespmem:s0+$0x8AA8];
	[tilespmem:s1+$0x1D0] =	vst v14  }
0x239: {  	v14 =	vld [tilespmem:s0+$0x8AB8];
	[tilespmem:s1+$0x1E0] =	vst v13;
	s1 =	sadd.s32 $0x400, s1  }
0x23a: {  	v13 =	vld [tilespmem:s0+$0x8AC8];
	[tilespmem:s1+$0xFFFFFE70] =	vst v9  }
0x23b: {  	s3 =	sadd.s32 $0x200, s3;
	[tilespmem:s1+$0xFFFFFE00] =	vst v15;
	v9 =	vld [tilespmem:s0+$0x7AE8]  }
0x23c: {  	s13 =	sshra.s32 s3, $0x2;
	[tilespmem:s1+$0xFFFFFE10] =	vst v10;
	v10 =	vld [tilespmem:s0+$0x8AD8]  }
0x23d: {  	v15 =	vld [tilespmem:s13+$0x1280];
	[tilespmem:s1+$0xFFFFFE20] =	vst v11  }
0x23e: {  	v11 =	vld [tilespmem:s0+$0x7A88];
	[tilespmem:s1+$0xFFFFFE30] =	vst v12  }
0x23f: {  	v12 =	vld [tilespmem:s0+$0x7A98];
	[tilespmem:s1+$0xFFFFFE40] =	vst v14  }
0x240: {  	v14 =	vld [tilespmem:s0+$0x7AA8];
	[tilespmem:s1+$0xFFFFFEF0] =	vst v9  }
0x241: {  	[tilespmem:s1+$0xFFFFFE50] =	vst v13;
	v9 =	vld [tilespmem:s0+$0x6AE8]  }
0x242: {  	v13 =	vld [tilespmem:s0+$0x7AB8];
	[tilespmem:s1+$0xFFFFFE60] =	vst v10  }
0x243: {  	s6 =	sadd.s32 $0x200, s6;
	[tilespmem:s1+$0xFFFFFE80] =	vst v15;
	v10 =	vld [tilespmem:s0+$0x7AC8]  }
0x244: {  	s13 =	sshra.s32 s6, $0x2;
	[tilespmem:s1+$0xFFFFFE90] =	vst v11;
	v11 =	vld [tilespmem:s0+$0x7AD8]  }
0x245: {  	v15 =	vld [tilespmem:s13+$0x1280];
	[tilespmem:s1+$0xFFFFFEA0] =	vst v12  }
0x246: {  	v12 =	vld [tilespmem:s0+$0x6A88];
	[tilespmem:s1+$0xFFFFFF70] =	vst v9  }
0x247: {  	[tilespmem:s1+$0xFFFFFEB0] =	vst v14;
	v9 =	vld [tilespmem:s0+$0x5AE8]  }
0x248: {  	v14 =	vld [tilespmem:s0+$0x6A98];
	[tilespmem:s1+$0xFFFFFEC0] =	vst v13  }
0x249: {  	v13 =	vld [tilespmem:s0+$0x6AA8];
	[tilespmem:s1+$0xFFFFFED0] =	vst v10  }
0x24a: {  	v10 =	vld [tilespmem:s0+$0x6AB8];
	[tilespmem:s1+$0xFFFFFEE0] =	vst v11  }
0x24b: {  	[tilespmem:s1+$0xFFFFFF00] =	vst v15;
	v11 =	vld [tilespmem:s0+$0x6AC8]  }
0x24c: {  	s7 =	sadd.s32 $0x200, s7;
	v15 =	vld [tilespmem:s0+$0x6AD8];
	[tilespmem:s1+$0xFFFFFFF0] =	vst v9  }
0x24d: {  	s13 =	sshra.s32 s7, $0x2;
	[tilespmem:s1+$0xFFFFFF10] =	vst v12;
	v9 =	vld [tilespmem:s0+$0x4AE8]  }
0x24e: {  	v12 =	vld [tilespmem:s13+$0x1280];
	[tilespmem:s1+$0xFFFFFF20] =	vst v14  }
0x24f: {  	v14 =	vld [tilespmem:s0+$0x5A88];
	[tilespmem:s1+$0xFFFFFF30] =	vst v13  }
0x250: {  	v13 =	vld [tilespmem:s0+$0x5A98];
	[tilespmem:s1+$0xFFFFFF40] =	vst v10  }
0x251: {  	v10 =	vld [tilespmem:s0+$0x5AA8];
	[tilespmem:s1+$0xFFFFFF50] =	vst v11  }
0x252: {  	v11 =	vld [tilespmem:s0+$0x5AB8];
	[tilespmem:s1+$0x70] =	vst v9  }
0x253: {  	[tilespmem:s1+$0xFFFFFF60] =	vst v15;
	v9 =	vld [tilespmem:s0+$0x3AE8]  }
0x254: {  	s8 =	sadd.s32 $0x200, s8;
	[tilespmem:s1+$0xFFFFFF80] =	vst v12;
	v12 =	vld [tilespmem:s0+$0x5AC8]  }
0x255: {  	s13 =	sshra.s32 s8, $0x2;
	[tilespmem:s1+$0xFFFFFF90] =	vst v14;
	v14 =	vld [tilespmem:s0+$0x5AD8]  }
0x256: {  	v15 =	vld [tilespmem:s13+$0x1280];
	[tilespmem:s1+$0xFFFFFFA0] =	vst v13  }
0x257: {  	v13 =	vld [tilespmem:s0+$0x4A88];
	[tilespmem:s1+$0xFFFFFFB0] =	vst v10  }
0x258: {  	v10 =	vld [tilespmem:s0+$0x4A98];
	[tilespmem:s1+$0xF0] =	vst v9  }
0x259: {  	[tilespmem:s1+$0xFFFFFFC0] =	vst v11;
	v9 =	vld [tilespmem:s0+$0x2AE8]  }
0x25a: {  	v11 =	vld [tilespmem:s0+$0x4AA8];
	[tilespmem:s1+$0xFFFFFFD0] =	vst v12  }
0x25b: {  	v12 =	vld [tilespmem:s0+$0x4AB8];
	[tilespmem:s1+$0xFFFFFFE0] =	vst v14  }
0x25c: {  	s9 =	sadd.s32 $0x200, s9;
	[tilespmem:s1+$0x0] =	vst v15;
	v14 =	vld [tilespmem:s0+$0x4AC8]  }
0x25d: {  	s13 =	sshra.s32 s9, $0x2;
	[tilespmem:s1+$0x10] =	vst v13;
	v13 =	vld [tilespmem:s0+$0x4AD8]  }
0x25e: {  	v15 =	vld [tilespmem:s13+$0x1280];
	[tilespmem:s1+$0x170] =	vst v9  }
0x25f: {  	[tilespmem:s1+$0x20] =	vst v10;
	v9 =	vld [tilespmem:s0+$0x1AE8]  }
0x260: {  	v10 =	vld [tilespmem:s0+$0x3A88];
	[tilespmem:s1+$0x30] =	vst v11  }
0x261: {  	v11 =	vld [tilespmem:s0+$0x3A98];
	[tilespmem:s1+$0x40] =	vst v12  }
0x262: {  	v12 =	vld [tilespmem:s0+$0x3AA8];
	[tilespmem:s1+$0x50] =	vst v14  }
0x263: {  	v14 =	vld [tilespmem:s0+$0x3AB8];
	[tilespmem:s1+$0x60] =	vst v13  }
0x264: {  	s30 =	sadd.s32 $0x200, s30;
	v13 =	vld [tilespmem:s0+$0x3AC8];
	[tilespmem:s1+$0x1F0] =	vst v9  }
0x265: {  	s13 =	sshra.s32 s30, $0x2;
	[tilespmem:s1+$0x80] =	vst v15;
	v9 =	vld [tilespmem:s0+$0x3AD8]  }
0x266: {  	v15 =	vld [tilespmem:s13+$0x1280];
	[tilespmem:s1+$0x90] =	vst v10  }
0x267: {  	v10 =	vld [tilespmem:s0+$0x2A88];
	[tilespmem:s1+$0xA0] =	vst v11  }
0x268: {  	v11 =	vld [tilespmem:s0+$0x2A98];
	[tilespmem:s1+$0xB0] =	vst v12  }
0x269: {  	v12 =	vld [tilespmem:s0+$0x2AA8];
	[tilespmem:s1+$0xC0] =	vst v14  }
0x26a: {  	v14 =	vld [tilespmem:s0+$0x2AB8];
	[tilespmem:s1+$0xD0] =	vst v13  }
0x26b: {  	s31 =	sadd.s32 $0x200, s31;
	v16 =	vld [tilespmem:s0+$0x2AC8];
	[tilespmem:s1+$0xE0] =	vst v9  }
0x26c: {  	s13 =	sshra.s32 s31, $0x2;
	[tilespmem:s1+$0x100] =	vst v15;
	v15 =	vld [tilespmem:s0+$0x2AD8]  }
0x26d: {  	v13 =	vld [tilespmem:s13+$0x1280];
	[tilespmem:s1+$0x110] =	vst v10  }
.Ltmp26:
0x26e: {  	v9 =	vld [tilespmem:s0+$0x1A88];
	[tilespmem:s1+$0x120] =	vst v11;
	(pc) =	sbr.rel @p0 .LBB2_45-.Ltmp26, $4  }
0x26f: {  	v10 =	vld [tilespmem:s0+$0x1A98];
	[tilespmem:s1+$0x130] =	vst v12  }
0x270: {  	v11 =	vld [tilespmem:s0+$0x1AA8];
	[tilespmem:s1+$0x140] =	vst v14  }
0x271: {  	v12 =	vld [tilespmem:s0+$0x1AB8];
	[tilespmem:s1+$0x150] =	vst v16  }
0x272: {  	s11 =	sadd.s32 $0x200, s11;
	v14 =	vld [tilespmem:s0+$0x1AC8];
	[tilespmem:s1+$0x160] =	vst v15  }
.Ltmp27:
0x273: {  	_ = 	snop;
	(pc) =	sbr.rel .LBB2_46-.Ltmp27, $1  }
0x274: {  	_ =	sdelay $0x3  }
.LBB2_10:
.Ltmp28:
0x275: {  	(pc) =	sbr.rel .LBB2_15-.Ltmp28, $2  }
0x276: {  	_ =	sdelay $0x2  }
0x277: {  	s10 =	simm.s32 $0x42B0;
	s8 =	smov.u32 s0;
	p2 =	por $0x0, $0x0  }
.LBB2_16:
.Ltmp29:
0x278: {  	(pc) =	sbr.rel .LBB2_21-.Ltmp29, $2  }
0x279: {  	_ =	sdelay $0x2  }
0x27a: {  	s6 =	simm.s32 $0x52B0  }
.LBB2_22:
.Ltmp30:
0x27b: {  	(pc) =	sbr.rel .LBB2_27-.Ltmp30, $2  }
0x27c: {  	_ =	sdelay $0x2  }
0x27d: {  	s10 =	simm.s32 $0x62B0;
	s8 =	smov.u32 s0;
	p2 =	por $0x0, $0x0  }
.LBB2_28:
.Ltmp31:
0x27e: {  	(pc) =	sbr.rel .LBB2_33-.Ltmp31, $2  }
0x27f: {  	_ =	sdelay $0x2  }
0x280: {  	s6 =	simm.s32 $0x72B0  }
.LBB2_34:
.Ltmp32:
0x281: {  	(pc) =	sbr.rel .LBB2_39-.Ltmp32, $2  }
0x282: {  	_ =	sdelay $0x2  }
0x283: {  	s7 =	simm.s32 $0x82B0  }
.LBB2_12:
.Ltmp33:
0x284: {  	(pc) =	sbr.rel .LBB2_15-.Ltmp33, $2  }
0x285: {  	_ =	sdelay $0x2  }
0x286: {  	s9 =	simm.s32 $0x42B0;
	s10 =	simm.s32 $0x42B0;
	s11 =	smov.u32 s0;
	v16 =	vmov v13  }
.LBB2_18:
.Ltmp34:
0x287: {  	(pc) =	sbr.rel .LBB2_21-.Ltmp34, $3  }
0x288: {  	_ =	sdelay $0x1  }
0x289: {  	s8 =	smov.u32 s0  }
0x28a: {  	s1 =	simm.s32 $0x52B0;
	s6 =	simm.s32 $0x52B0;
	s0 =	smov.u32 s3;
	v17 =	vmov v12  }
.LBB2_24:
.Ltmp35:
0x28b: {  	(pc) =	sbr.rel .LBB2_27-.Ltmp35, $2  }
0x28c: {  	_ =	sdelay $0x2  }
0x28d: {  	s9 =	simm.s32 $0x62B0;
	s10 =	simm.s32 $0x62B0;
	s11 =	smov.u32 s0;
	v16 =	vmov v13  }
.LBB2_30:
.Ltmp36:
0x28e: {  	(pc) =	sbr.rel .LBB2_33-.Ltmp36, $3  }
0x28f: {  	_ =	sdelay $0x1  }
0x290: {  	s8 =	smov.u32 s0  }
0x291: {  	s1 =	simm.s32 $0x72B0;
	s6 =	simm.s32 $0x72B0;
	s0 =	smov.u32 s3;
	v17 =	vmov v12  }
.LBB2_36:
.Ltmp37:
0x292: {  	(pc) =	sbr.rel .LBB2_39-.Ltmp37, $3  }
0x293: {  	_ =	sdelay $0x1  }
0x294: {  	s8 =	smov.u32 s1  }
0x295: {  	s6 =	simm.s32 $0x82B0;
	s7 =	simm.s32 $0x82B0;
	s1 =	smov.u32 s3;
	v17 =	vmov v12  }
.LBB2_49:
0x296: {  	_ =	sfence.sel $0x180000  }
0x297: {  	[bflag:$0x0] =	sbarrier.arrive $0xFFFF  }
0x298: {  	_ =	strace $0x90000047  }
0x299: {  	s0 =	stileid.u32;
	[bflag:$0x2] =	sbarrier.arrive $0xFFFF  }
0x29a: {  	p0 =	sne.s32 s0, $0x0;
	s0 =	rddreg [dreg:$0x2]  }
0x29b: {  	s0 =	sadd.s32 @!p0 $0x100000, s0  }
0x29c: {  	[sflag:s0] =	ssyncadd.tile.s32 @!p0 $0x1;
	_ =	shalt  }
.Lfunc_end2:
_tile_overlayer_lowered:
.L_overlay_start_2:
0x29d: {  	(tag) =	ssettag $0x2  }
0x29e: {  	s0 =	rddreg [dreg:$0x0];
	s2 =	stileid.u32  }
0x29f: {  	s1 =	rddreg [dreg:$0x1];
	p0 =	sne.s32 s2, $0x0  }
0x2a0: {  	s3 =	rddreg [dreg:$0x2];
	[bflag:$0x3] =	sbarrier.arrive $0xFFFF;
	s2 =	simm.s32 @!p0 $0x1C02  }
0x2a1: {  	[timem:s3], [sflag:s2] =	dma.local @!p0 [hbm:s0], s1  }
0x2a2: {  	s0 =	simm.s32 @!p0 $0x2  }
0x2a3: {  	_ =	swait.ge @!p0 [sflag:s0], s1  }
0x2a4: {  	s1 =	ssub.s32 @!p0 $0x0, s1;
	[sflag:s0] =	ssyncset.done @!p0 $0x0  }
0x2a5: {  	[sflag:s0] =	ssyncadd.s32 @!p0 s1  }
0x2a6: {  	[bflag:$0x3] =	sbarrier.arrive $0xFFFF  }
0x2a7: {  	_ =	shalt  }

</sc_bundles>
